<compile_context>
chip_gen: v7x
topology: tpu7x:2x2x1
jax: 0.10.2.dev20260603
libtpu: 0.0.44.dev20260713+nightly
codegen_flags: <defaults>
</compile_context>

<pallas_src>
import functools

import jax
import jax.numpy as jnp
from jax import lax
from jax.experimental import pallas as pl
from jax.experimental.pallas import tpu as pltpu
from jax.experimental.pallas import tpu_sc as plsc

B = 64
P = 576
D = 768
NM = 432
NU = P - NM

NC = 2
NS = 16
NW = NC * NS
BPW = B // NW
CH = 72
NCH = NM // CH


def _sort_body(probs_r_ref, probs_c_ref, W_ref, b_ref, pos_ref, mt_ref,
               ri_ref, pos_plus_ref, tri_ref):
    bidx = pl.program_id(0)

    @pl.when(bidx == 0)
    def _init():
        mt = jnp.dot(mt_ref[...], W_ref[...],
                     preferred_element_type=jnp.float32) + b_ref[...]
        pos_plus_ref[...] = pos_ref[...] + mt
        ii0 = lax.broadcasted_iota(jnp.int32, (P, P), 0)
        jj0 = lax.broadcasted_iota(jnp.int32, (P, P), 1)
        tri_ref[...] = jnp.where(ii0 < jj0, 1, 0)

    kr = lax.bitcast_convert_type(probs_r_ref[0], jnp.int32)
    kc = lax.bitcast_convert_type(probs_c_ref[0], jnp.int32)
    kjm = jnp.broadcast_to(kr, (P, P))
    kim = jnp.broadcast_to(kc, (P, P))
    cmpi = jnp.where(kim < kjm + tri_ref[...], 1, 0)
    rank_row = jnp.sum(cmpi, axis=0, keepdims=True)
    ii = lax.broadcasted_iota(jnp.int32, (P, P), 0)
    jj = lax.broadcasted_iota(jnp.int32, (P, P), 1)
    ohb = jnp.broadcast_to(rank_row, (P, P)) == ii
    ri_ref[0] = jnp.sum(jnp.where(ohb, jj, 0), axis=1, keepdims=True)


def _proj_body(ri_ref, patches_ref, W_ref, b_ref, pos_ref, ue_ref, up_ref):
    riu = ri_ref[0][NM:, :]
    jj = lax.broadcasted_iota(jnp.int32, (NU, P), 1)
    ohu = jnp.where(jnp.broadcast_to(riu, (NU, P)) == jj, 1.0, 0.0)
    pos = pos_ref[...]
    up = jnp.dot(ohu, pos, preferred_element_type=jnp.float32)
    gp = jnp.dot(ohu, patches_ref[0], preferred_element_type=jnp.float32)
    ue = jnp.dot(gp, W_ref[...],
                 preferred_element_type=jnp.float32) + b_ref[...] + up
    ue_ref[0] = ue
    up_ref[0] = up


def _sc_me_body(pp_hbm, ri_hbm, me_hbm,
                idx0, idx1, rows0, rows1, gsem, ssem0, ssem1):
    wid = lax.axis_index("s") * NC + lax.axis_index("c")
    idx_v = (idx0, idx1)
    rows_v = (rows0, rows1)
    ssem = (ssem0, ssem1)
    pending = [None, None]
    for g in range(BPW * NCH):
        slot = g % 2
        b = wid * BPW + g // NCH
        c = g % NCH
        if pending[slot] is not None:
            pending[slot].wait()
        pltpu.sync_copy(ri_hbm.at[pl.ds(b * P + c * CH, CH)], idx_v[slot])
        pltpu.async_copy(pp_hbm.at[idx_v[slot]], rows_v[slot], gsem).wait()
        cp = pltpu.async_copy(rows_v[slot],
                              me_hbm.at[pl.ds(b * NM + c * CH, CH)],
                              ssem[slot])
        pending[slot] = cp
    for cp in pending:
        cp.wait()


def kernel(patches, W_proj, b_proj, pos_table, mask_token, probs):
    probs_r = probs.reshape(B, 1, P)
    probs_c = probs.reshape(B, P, 1)
    b2 = b_proj.reshape(1, D)

    ri, pos_plus = pl.pallas_call(
        _sort_body,
        grid=(B,),
        in_specs=[
            pl.BlockSpec((1, 1, P), lambda b: (b, 0, 0)),
            pl.BlockSpec((1, P, 1), lambda b: (b, 0, 0)),
            pl.BlockSpec((D, D), lambda b: (0, 0)),
            pl.BlockSpec((1, D), lambda b: (0, 0)),
            pl.BlockSpec((P, D), lambda b: (0, 0)),
            pl.BlockSpec((1, D), lambda b: (0, 0)),
        ],
        out_specs=(
            pl.BlockSpec((1, P, 1), lambda b: (b, 0, 0)),
            pl.BlockSpec((P, D), lambda b: (0, 0)),
        ),
        out_shape=(
            jax.ShapeDtypeStruct((B, P, 1), jnp.int32),
            jax.ShapeDtypeStruct((P, D), jnp.float32),
        ),
        scratch_shapes=[pltpu.VMEM((P, P), jnp.int32)],
    )(probs_r, probs_c, W_proj, b2, pos_table, mask_token)

    ri_flat = ri.reshape(B * P)

    @functools.partial(
        pl.kernel,
        out_type=jax.ShapeDtypeStruct((B * NM, D), jnp.float32),
        mesh=plsc.VectorSubcoreMesh(core_axis_name="c", subcore_axis_name="s"),
        scratch_types=[
            pltpu.VMEM((CH,), jnp.int32),
            pltpu.VMEM((CH,), jnp.int32),
            pltpu.VMEM((CH, D), jnp.float32),
            pltpu.VMEM((CH, D), jnp.float32),
            pltpu.SemaphoreType.DMA,
            pltpu.SemaphoreType.DMA,
            pltpu.SemaphoreType.DMA,
        ],
    )
    def _sc_me(pp_hbm, ri_hbm, me_hbm, *rest):
        _sc_me_body(pp_hbm, ri_hbm, me_hbm, *rest)

    me_flat = _sc_me(pos_plus, ri_flat)

    ue, up = pl.pallas_call(
        _proj_body,
        grid=(B,),
        in_specs=[
            pl.BlockSpec((1, P, 1), lambda b: (b, 0, 0)),
            pl.BlockSpec((1, P, D), lambda b: (b, 0, 0)),
            pl.BlockSpec((D, D), lambda b: (0, 0)),
            pl.BlockSpec((1, D), lambda b: (0, 0)),
            pl.BlockSpec((P, D), lambda b: (0, 0)),
        ],
        out_specs=(
            pl.BlockSpec((1, NU, D), lambda b: (b, 0, 0)),
            pl.BlockSpec((1, NU, D), lambda b: (b, 0, 0)),
        ),
        out_shape=(
            jax.ShapeDtypeStruct((B, NU, D), jnp.float32),
            jax.ShapeDtypeStruct((B, NU, D), jnp.float32),
        ),
    )(ri, patches, W_proj, b2, pos_table)

    ri2 = ri[:, :, 0]
    mask_indices = ri2[:, :NM]
    unmask_indices = ri2[:, NM:]
    me = me_flat.reshape(B, NM, D)
    return (ue, me, up, mask_indices, unmask_indices)

# --- scband reference (transcript-rebuilt; emitter-appended) ---
"""Pipeline reference for scband-patch-encoder-72138270703666 (READ-ONLY COPY).

The authoritative reference and input builder live on the scoring server;
editing this copy changes nothing except your own understanding.
"""

import jax, jax.numpy as jnp
import numpy as np

PATCH_SIZE = 16
PROJ_DIM = 768
MASK_PROP = 0.75
BATCH = 64
NUM_PATCHES = 576
PATCH_DIM = PATCH_SIZE * PATCH_SIZE * 3  # 768
NUM_MASK = int(MASK_PROP * NUM_PATCHES)  # 432


def setup_inputs(seed: int = 0) -> dict:
    key = jax.random.key(seed)
    k1, k2, k3, k4, k5, k6 = jax.random.split(key, 6)
    patches = jax.random.normal(k1, (BATCH, NUM_PATCHES, PATCH_DIM), dtype=jnp.float32)
    # learned params
    W_proj = jax.random.normal(k2, (PATCH_DIM, PROJ_DIM), dtype=jnp.float32) * 0.02
    b_proj = jnp.zeros((PROJ_DIM,), dtype=jnp.float32)
    pos_table = jax.random.normal(k3, (NUM_PATCHES, PROJ_DIM), dtype=jnp.float32) * 0.02
    mask_token = jax.random.normal(k4, (1, PATCH_DIM), dtype=jnp.float32)
    # random probs for masking (stand-in for keras.random.uniform inside call)
    probs = jax.random.uniform(k5, (BATCH, NUM_PATCHES), dtype=jnp.float32)
    return {
        "patches": patches,
        "W_proj": W_proj,
        "b_proj": b_proj,
        "pos_table": pos_table,
        "mask_token": mask_token,
        "probs": probs,
    }


def reference(patches, W_proj, b_proj, pos_table, mask_token, probs):
    batch_size = patches.shape[0]
    num_patches = patches.shape[1]
    num_mask = NUM_MASK
    # position embeddings: embedding lookup of arange == full table
    positions = jnp.arange(num_patches)
    pos_embeddings = jnp.take(pos_table, positions, axis=0)[None, ...]  # [1, P, D]
    pos_embeddings = jnp.tile(pos_embeddings, (batch_size, 1, 1))  # [B, P, D]
    # projection
    patch_embeddings = jnp.einsum('bpd,de->bpe', patches, W_proj) + b_proj + pos_embeddings
    # random indices via argsort of probs (top-k style masking)
    rand_indices = jnp.argsort(probs, axis=-1)
    mask_indices = rand_indices[:, :num_mask]
    unmask_indices = rand_indices[:, num_mask:]
    u_idx = unmask_indices[..., None]
    m_idx = mask_indices[..., None]
    unmasked_embeddings = jnp.take_along_axis(patch_embeddings, u_idx, axis=1)
    unmasked_positions = jnp.take_along_axis(pos_embeddings, u_idx, axis=1)
    masked_positions = jnp.take_along_axis(pos_embeddings, m_idx, axis=1)
    mask_tokens = jnp.repeat(mask_token, repeats=num_mask, axis=0)  # [num_mask, patch_dim]
    mask_tokens = jnp.repeat(mask_tokens[None, ...], repeats=batch_size, axis=0)  # [B, num_mask, patch_dim]
    masked_embeddings = jnp.einsum('bpd,de->bpe', mask_tokens, W_proj) + b_proj + masked_positions
    return (unmasked_embeddings, masked_embeddings, unmasked_positions, mask_indices, unmask_indices)

if __name__ == "__main__":
    import jax
    _d = setup_inputs()
    print(jax.jit(kernel)(*tuple(_d.values())))

</pallas_src>

<mosaic_0001>
#map = affine_map<(d0, d1) -> (0, 0)>
#map1 = affine_map<(d0, d1) -> (0)>
module attributes {stable_mosaic.version = 14 : i64} {
  func.func @_sc_me(%arg0: i32, %arg1: i32, %arg2: memref<576x768xf32, #tpu.memory_space<hbm>>, %arg3: memref<36864xi32, #tpu.memory_space<hbm>>, %arg4: memref<27648x768xf32, #tpu.memory_space<hbm>>, %arg5: memref<72xi32, #tpu.memory_space<vmem>>, %arg6: memref<72xi32, #tpu.memory_space<vmem>>, %arg7: memref<72x768xf32, #tpu.memory_space<vmem>>, %arg8: memref<72x768xf32, #tpu.memory_space<vmem>>, %arg9: memref<!tpu.dma_semaphore, #tpu.memory_space<semaphore_mem>>, %arg10: memref<!tpu.dma_semaphore, #tpu.memory_space<semaphore_mem>>, %arg11: memref<!tpu.dma_semaphore, #tpu.memory_space<semaphore_mem>>) attributes {dimension_semantics = [#tpu.dimension_semantics<core_parallel>, #tpu.dimension_semantics<subcore_parallel>], iteration_bounds = array<i64: 2, 16>, scalar_prefetch = 0 : i64, scratch_operands = 7 : i64, tpu.core_type = #tpu.core_type<sc_vector_subcore>, window_params = [{transform_indices = #map}, {transform_indices = #map1}, {transform_indices = #map}]} {
    %mul3A = arith.constant 2 : i32
    %mul3A_0 = arith.muli %arg1, %mul3A : i32
    %add3A = arith.addi %mul3A_0, %arg0 : i32
    %mul3A_1 = arith.constant 2 : i32
    %mul3A_2 = arith.muli %add3A, %mul3A_1 : i32
    %add3A_3 = arith.constant 0 : i32
    %add3A_4 = arith.addi %mul3A_2, %add3A_3 : i32
    %mul3A_5 = arith.constant 576 : i32
    %mul3A_6 = arith.muli %add3A_4, %mul3A_5 : i32
    %add3A_7 = arith.constant 0 : i32
    %add3A_8 = arith.addi %mul3A_6, %add3A_7 : i32
    "tpu.region"() ({
      %run_scoped3A = tpu.sem_alloc : memref<!tpu.dma_semaphore, #tpu.memory_space<semaphore_mem>>
      %dma_start3A_311 = tpu.memref_slice %arg3[%add3A_8] : memref<36864xi32, #tpu.memory_space<hbm>> -> memref<72xi32, #tpu.memory_space<hbm>>
      %dma_start3A_312 = tpu.memref_slice %arg3[%add3A_8] : memref<36864xi32, #tpu.memory_space<hbm>> -> memref<72xi32, #tpu.memory_space<hbm>>
      tpu.enqueue_dma source(%dma_start3A_312 : memref<72xi32, #tpu.memory_space<hbm>>) target(%arg5 : memref<72xi32, #tpu.memory_space<vmem>>) target_semaphore(%run_scoped3A : memref<!tpu.dma_semaphore, #tpu.memory_space<semaphore_mem>>)
      %dma_wait3A_313 = tpu.memref_slice %arg3[%add3A_8] : memref<36864xi32, #tpu.memory_space<hbm>> -> memref<72xi32, #tpu.memory_space<hbm>>
      %dma_wait3A_314 = tpu.memref_slice %arg3[%add3A_8] : memref<36864xi32, #tpu.memory_space<hbm>> -> memref<72xi32, #tpu.memory_space<hbm>>
      tpu.wait_dma2 semaphore(%run_scoped3A : memref<!tpu.dma_semaphore, #tpu.memory_space<semaphore_mem>>) src(%dma_wait3A_314 : memref<72xi32, #tpu.memory_space<hbm>>) dst(%arg5 : memref<72xi32, #tpu.memory_space<vmem>>)
      tpu.yield
    }) : () -> ()
    %dma_start3A = arith.constant 0 : i32
    %dma_start3A_9 = arith.constant 0 : i32
    %dma_start3A_10 = tpu.memref_slice %arg2[%dma_start3A, %dma_start3A_9] : memref<576x768xf32, #tpu.memory_space<hbm>> -> memref<576x768xf32, #tpu.memory_space<hbm>>
    tpu.enqueue_indirect_dma source(%dma_start3A_10 : memref<576x768xf32, #tpu.memory_space<hbm>>) target(%arg7 : memref<72x768xf32, #tpu.memory_space<vmem>>) offsets(%arg5 : memref<72xi32, #tpu.memory_space<vmem>>) semaphore(%arg9 : memref<!tpu.dma_semaphore, #tpu.memory_space<semaphore_mem>>)
    %dma_wait3A = arith.constant 0 : i32
    %dma_wait3A_11 = arith.constant 0 : i32
    %dma_wait3A_12 = tpu.memref_slice %arg2[%dma_wait3A, %dma_wait3A_11] : memref<576x768xf32, #tpu.memory_space<hbm>> -> memref<576x768xf32, #tpu.memory_space<hbm>>
    tpu.wait_indirect_dma semaphore(%arg9 : memref<!tpu.dma_semaphore, #tpu.memory_space<semaphore_mem>>) src(%dma_wait3A_12 : memref<576x768xf32, #tpu.memory_space<hbm>>) dst(%arg7 : memref<72x768xf32, #tpu.memory_space<vmem>>)
    %mul3A_13 = arith.constant 432 : i32
    %mul3A_14 = arith.muli %add3A_4, %mul3A_13 : i32
    %add3A_15 = arith.constant 0 : i32
    %add3A_16 = arith.addi %mul3A_14, %add3A_15 : i32
    %dma_start3A_17 = arith.constant 0 : i32
    %dma_start3A_18 = tpu.memref_slice %arg4[%add3A_16, %dma_start3A_17] : memref<27648x768xf32, #tpu.memory_space<hbm>> -> memref<72x768xf32, #tpu.memory_space<hbm>>
    %dma_start3A_19 = arith.constant 0 : i32
    %dma_start3A_20 = tpu.memref_slice %arg4[%add3A_16, %dma_start3A_19] : memref<27648x768xf32, #tpu.memory_space<hbm>> -> memref<72x768xf32, #tpu.memory_space<hbm>>
    tpu.enqueue_dma source(%arg7 : memref<72x768xf32, #tpu.memory_space<vmem>>) target(%dma_start3A_20 : memref<72x768xf32, #tpu.memory_space<hbm>>) target_semaphore(%arg10 : memref<!tpu.dma_semaphore, #tpu.memory_space<semaphore_mem>>)
    %mul3A_21 = arith.constant 2 : i32
    %mul3A_22 = arith.muli %add3A, %mul3A_21 : i32
    %add3A_23 = arith.constant 0 : i32
    %add3A_24 = arith.addi %mul3A_22, %add3A_23 : i32
    %mul3A_25 = arith.constant 576 : i32
    %mul3A_26 = arith.muli %add3A_24, %mul3A_25 : i32
    %add3A_27 = arith.constant 72 : i32
    %add3A_28 = arith.addi %mul3A_26, %add3A_27 : i32
    "tpu.region"() ({
      %run_scoped3A = tpu.sem_alloc : memref<!tpu.dma_semaphore, #tpu.memory_space<semaphore_mem>>
      %dma_start3A_311 = tpu.memref_slice %arg3[%add3A_28] : memref<36864xi32, #tpu.memory_space<hbm>> -> memref<72xi32, #tpu.memory_space<hbm>>
      %dma_start3A_312 = tpu.memref_slice %arg3[%add3A_28] : memref<36864xi32, #tpu.memory_space<hbm>> -> memref<72xi32, #tpu.memory_space<hbm>>
      tpu.enqueue_dma source(%dma_start3A_312 : memref<72xi32, #tpu.memory_space<hbm>>) target(%arg6 : memref<72xi32, #tpu.memory_space<vmem>>) target_semaphore(%run_scoped3A : memref<!tpu.dma_semaphore, #tpu.memory_space<semaphore_mem>>)
      %dma_wait3A_313 = tpu.memref_slice %arg3[%add3A_28] : memref<36864xi32, #tpu.memory_space<hbm>> -> memref<72xi32, #tpu.memory_space<hbm>>
      %dma_wait3A_314 = tpu.memref_slice %arg3[%add3A_28] : memref<36864xi32, #tpu.memory_space<hbm>> -> memref<72xi32, #tpu.memory_space<hbm>>
      tpu.wait_dma2 semaphore(%run_scoped3A : memref<!tpu.dma_semaphore, #tpu.memory_space<semaphore_mem>>) src(%dma_wait3A_314 : memref<72xi32, #tpu.memory_space<hbm>>) dst(%arg6 : memref<72xi32, #tpu.memory_space<vmem>>)
      tpu.yield
    }) : () -> ()
    %dma_start3A_29 = arith.constant 0 : i32
    %dma_start3A_30 = arith.constant 0 : i32
    %dma_start3A_31 = tpu.memref_slice %arg2[%dma_start3A_29, %dma_start3A_30] : memref<576x768xf32, #tpu.memory_space<hbm>> -> memref<576x768xf32, #tpu.memory_space<hbm>>
    tpu.enqueue_indirect_dma source(%dma_start3A_31 : memref<576x768xf32, #tpu.memory_space<hbm>>) target(%arg8 : memref<72x768xf32, #tpu.memory_space<vmem>>) offsets(%arg6 : memref<72xi32, #tpu.memory_space<vmem>>) semaphore(%arg9 : memref<!tpu.dma_semaphore, #tpu.memory_space<semaphore_mem>>)
    %dma_wait3A_32 = arith.constant 0 : i32
    %dma_wait3A_33 = arith.constant 0 : i32
    %dma_wait3A_34 = tpu.memref_slice %arg2[%dma_wait3A_32, %dma_wait3A_33] : memref<576x768xf32, #tpu.memory_space<hbm>> -> memref<576x768xf32, #tpu.memory_space<hbm>>
    tpu.wait_indirect_dma semaphore(%arg9 : memref<!tpu.dma_semaphore, #tpu.memory_space<semaphore_mem>>) src(%dma_wait3A_34 : memref<576x768xf32, #tpu.memory_space<hbm>>) dst(%arg8 : memref<72x768xf32, #tpu.memory_space<vmem>>)
    %mul3A_35 = arith.constant 432 : i32
    %mul3A_36 = arith.muli %add3A_24, %mul3A_35 : i32
    %add3A_37 = arith.constant 72 : i32
    %add3A_38 = arith.addi %mul3A_36, %add3A_37 : i32
    %dma_start3A_39 = arith.constant 0 : i32
    %dma_start3A_40 = tpu.memref_slice %arg4[%add3A_38, %dma_start3A_39] : memref<27648x768xf32, #tpu.memory_space<hbm>> -> memref<72x768xf32, #tpu.memory_space<hbm>>
    %dma_start3A_41 = arith.constant 0 : i32
    %dma_start3A_42 = tpu.memref_slice %arg4[%add3A_38, %dma_start3A_41] : memref<27648x768xf32, #tpu.memory_space<hbm>> -> memref<72x768xf32, #tpu.memory_space<hbm>>
    tpu.enqueue_dma source(%arg8 : memref<72x768xf32, #tpu.memory_space<vmem>>) target(%dma_start3A_42 : memref<72x768xf32, #tpu.memory_space<hbm>>) target_semaphore(%arg11 : memref<!tpu.dma_semaphore, #tpu.memory_space<semaphore_mem>>)
    %mul3A_43 = arith.constant 2 : i32
    %mul3A_44 = arith.muli %add3A, %mul3A_43 : i32
    %add3A_45 = arith.constant 0 : i32
    %add3A_46 = arith.addi %mul3A_44, %add3A_45 : i32
    %dma_wait3A_47 = arith.constant 0 : i32
    %dma_wait3A_48 = tpu.memref_slice %arg4[%add3A_16, %dma_wait3A_47] : memref<27648x768xf32, #tpu.memory_space<hbm>> -> memref<72x768xf32, #tpu.memory_space<hbm>>
    %dma_wait3A_49 = arith.constant 0 : i32
    %dma_wait3A_50 = tpu.memref_slice %arg4[%add3A_16, %dma_wait3A_49] : memref<27648x768xf32, #tpu.memory_space<hbm>> -> memref<72x768xf32, #tpu.memory_space<hbm>>
    tpu.wait_dma2 semaphore(%arg10 : memref<!tpu.dma_semaphore, #tpu.memory_space<semaphore_mem>>) src(%arg7 : memref<72x768xf32, #tpu.memory_space<vmem>>) dst(%dma_wait3A_50 : memref<72x768xf32, #tpu.memory_space<hbm>>)
    %mul3A_51 = arith.constant 576 : i32
    %mul3A_52 = arith.muli %add3A_46, %mul3A_51 : i32
    %add3A_53 = arith.constant 144 : i32
    %add3A_54 = arith.addi %mul3A_52, %add3A_53 : i32
    "tpu.region"() ({
      %run_scoped3A = tpu.sem_alloc : memref<!tpu.dma_semaphore, #tpu.memory_space<semaphore_mem>>
      %dma_start3A_311 = tpu.memref_slice %arg3[%add3A_54] : memref<36864xi32, #tpu.memory_space<hbm>> -> memref<72xi32, #tpu.memory_space<hbm>>
      %dma_start3A_312 = tpu.memref_slice %arg3[%add3A_54] : memref<36864xi32, #tpu.memory_space<hbm>> -> memref<72xi32, #tpu.memory_space<hbm>>
      tpu.enqueue_dma source(%dma_start3A_312 : memref<72xi32, #tpu.memory_space<hbm>>) target(%arg5 : memref<72xi32, #tpu.memory_space<vmem>>) target_semaphore(%run_scoped3A : memref<!tpu.dma_semaphore, #tpu.memory_space<semaphore_mem>>)
      %dma_wait3A_313 = tpu.memref_slice %arg3[%add3A_54] : memref<36864xi32, #tpu.memory_space<hbm>> -> memref<72xi32, #tpu.memory_space<hbm>>
      %dma_wait3A_314 = tpu.memref_slice %arg3[%add3A_54] : memref<36864xi32, #tpu.memory_space<hbm>> -> memref<72xi32, #tpu.memory_space<hbm>>
      tpu.wait_dma2 semaphore(%run_scoped3A : memref<!tpu.dma_semaphore, #tpu.memory_space<semaphore_mem>>) src(%dma_wait3A_314 : memref<72xi32, #tpu.memory_space<hbm>>) dst(%arg5 : memref<72xi32, #tpu.memory_space<vmem>>)
      tpu.yield
    }) : () -> ()
    %dma_start3A_55 = arith.constant 0 : i32
    %dma_start3A_56 = arith.constant 0 : i32
    %dma_start3A_57 = tpu.memref_slice %arg2[%dma_start3A_55, %dma_start3A_56] : memref<576x768xf32, #tpu.memory_space<hbm>> -> memref<576x768xf32, #tpu.memory_space<hbm>>
    tpu.enqueue_indirect_dma source(%dma_start3A_57 : memref<576x768xf32, #tpu.memory_space<hbm>>) target(%arg7 : memref<72x768xf32, #tpu.memory_space<vmem>>) offsets(%arg5 : memref<72xi32, #tpu.memory_space<vmem>>) semaphore(%arg9 : memref<!tpu.dma_semaphore, #tpu.memory_space<semaphore_mem>>)
    %dma_wait3A_58 = arith.constant 0 : i32
    %dma_wait3A_59 = arith.constant 0 : i32
    %dma_wait3A_60 = tpu.memref_slice %arg2[%dma_wait3A_58, %dma_wait3A_59] : memref<576x768xf32, #tpu.memory_space<hbm>> -> memref<576x768xf32, #tpu.memory_space<hbm>>
    tpu.wait_indirect_dma semaphore(%arg9 : memref<!tpu.dma_semaphore, #tpu.memory_space<semaphore_mem>>) src(%dma_wait3A_60 : memref<576x768xf32, #tpu.memory_space<hbm>>) dst(%arg7 : memref<72x768xf32, #tpu.memory_space<vmem>>)
    %mul3A_61 = arith.constant 432 : i32
    %mul3A_62 = arith.muli %add3A_46, %mul3A_61 : i32
    %add3A_63 = arith.constant 144 : i32
    %add3A_64 = arith.addi %mul3A_62, %add3A_63 : i32
    %dma_start3A_65 = arith.constant 0 : i32
    %dma_start3A_66 = tpu.memref_slice %arg4[%add3A_64, %dma_start3A_65] : memref<27648x768xf32, #tpu.memory_space<hbm>> -> memref<72x768xf32, #tpu.memory_space<hbm>>
    %dma_start3A_67 = arith.constant 0 : i32
    %dma_start3A_68 = tpu.memref_slice %arg4[%add3A_64, %dma_start3A_67] : memref<27648x768xf32, #tpu.memory_space<hbm>> -> memref<72x768xf32, #tpu.memory_space<hbm>>
    tpu.enqueue_dma source(%arg7 : memref<72x768xf32, #tpu.memory_space<vmem>>) target(%dma_start3A_68 : memref<72x768xf32, #tpu.memory_space<hbm>>) target_semaphore(%arg10 : memref<!tpu.dma_semaphore, #tpu.memory_space<semaphore_mem>>)
    %mul3A_69 = arith.constant 2 : i32
    %mul3A_70 = arith.muli %add3A, %mul3A_69 : i32
    %add3A_71 = arith.constant 0 : i32
    %add3A_72 = arith.addi %mul3A_70, %add3A_71 : i32
    %dma_wait3A_73 = arith.constant 0 : i32
    %dma_wait3A_74 = tpu.memref_slice %arg4[%add3A_38, %dma_wait3A_73] : memref<27648x768xf32, #tpu.memory_space<hbm>> -> memref<72x768xf32, #tpu.memory_space<hbm>>
    %dma_wait3A_75 = arith.constant 0 : i32
    %dma_wait3A_76 = tpu.memref_slice %arg4[%add3A_38, %dma_wait3A_75] : memref<27648x768xf32, #tpu.memory_space<hbm>> -> memref<72x768xf32, #tpu.memory_space<hbm>>
    tpu.wait_dma2 semaphore(%arg11 : memref<!tpu.dma_semaphore, #tpu.memory_space<semaphore_mem>>) src(%arg8 : memref<72x768xf32, #tpu.memory_space<vmem>>) dst(%dma_wait3A_76 : memref<72x768xf32, #tpu.memory_space<hbm>>)
    %mul3A_77 = arith.constant 576 : i32
    %mul3A_78 = arith.muli %add3A_72, %mul3A_77 : i32
    %add3A_79 = arith.constant 216 : i32
    %add3A_80 = arith.addi %mul3A_78, %add3A_79 : i32
    "tpu.region"() ({
      %run_scoped3A = tpu.sem_alloc : memref<!tpu.dma_semaphore, #tpu.memory_space<semaphore_mem>>
      %dma_start3A_311 = tpu.memref_slice %arg3[%add3A_80] : memref<36864xi32, #tpu.memory_space<hbm>> -> memref<72xi32, #tpu.memory_space<hbm>>
      %dma_start3A_312 = tpu.memref_slice %arg3[%add3A_80] : memref<36864xi32, #tpu.memory_space<hbm>> -> memref<72xi32, #tpu.memory_space<hbm>>
      tpu.enqueue_dma source(%dma_start3A_312 : memref<72xi32, #tpu.memory_space<hbm>>) target(%arg6 : memref<72xi32, #tpu.memory_space<vmem>>) target_semaphore(%run_scoped3A : memref<!tpu.dma_semaphore, #tpu.memory_space<semaphore_mem>>)
      %dma_wait3A_313 = tpu.memref_slice %arg3[%add3A_80] : memref<36864xi32, #tpu.memory_space<hbm>> -> memref<72xi32, #tpu.memory_space<hbm>>
      %dma_wait3A_314 = tpu.memref_slice %arg3[%add3A_80] : memref<36864xi32, #tpu.memory_space<hbm>> -> memref<72xi32, #tpu.memory_space<hbm>>
      tpu.wait_dma2 semaphore(%run_scoped3A : memref<!tpu.dma_semaphore, #tpu.memory_space<semaphore_mem>>) src(%dma_wait3A_314 : memref<72xi32, #tpu.memory_space<hbm>>) dst(%arg6 : memref<72xi32, #tpu.memory_space<vmem>>)
      tpu.yield
    }) : () -> ()
    %dma_start3A_81 = arith.constant 0 : i32
    %dma_start3A_82 = arith.constant 0 : i32
    %dma_start3A_83 = tpu.memref_slice %arg2[%dma_start3A_81, %dma_start3A_82] : memref<576x768xf32, #tpu.memory_space<hbm>> -> memref<576x768xf32, #tpu.memory_space<hbm>>
    tpu.enqueue_indirect_dma source(%dma_start3A_83 : memref<576x768xf32, #tpu.memory_space<hbm>>) target(%arg8 : memref<72x768xf32, #tpu.memory_space<vmem>>) offsets(%arg6 : memref<72xi32, #tpu.memory_space<vmem>>) semaphore(%arg9 : memref<!tpu.dma_semaphore, #tpu.memory_space<semaphore_mem>>)
    %dma_wait3A_84 = arith.constant 0 : i32
    %dma_wait3A_85 = arith.constant 0 : i32
    %dma_wait3A_86 = tpu.memref_slice %arg2[%dma_wait3A_84, %dma_wait3A_85] : memref<576x768xf32, #tpu.memory_space<hbm>> -> memref<576x768xf32, #tpu.memory_space<hbm>>
    tpu.wait_indirect_dma semaphore(%arg9 : memref<!tpu.dma_semaphore, #tpu.memory_space<semaphore_mem>>) src(%dma_wait3A_86 : memref<576x768xf32, #tpu.memory_space<hbm>>) dst(%arg8 : memref<72x768xf32, #tpu.memory_space<vmem>>)
    %mul3A_87 = arith.constant 432 : i32
    %mul3A_88 = arith.muli %add3A_72, %mul3A_87 : i32
    %add3A_89 = arith.constant 216 : i32
    %add3A_90 = arith.addi %mul3A_88, %add3A_89 : i32
    %dma_start3A_91 = arith.constant 0 : i32
    %dma_start3A_92 = tpu.memref_slice %arg4[%add3A_90, %dma_start3A_91] : memref<27648x768xf32, #tpu.memory_space<hbm>> -> memref<72x768xf32, #tpu.memory_space<hbm>>
    %dma_start3A_93 = arith.constant 0 : i32
    %dma_start3A_94 = tpu.memref_slice %arg4[%add3A_90, %dma_start3A_93] : memref<27648x768xf32, #tpu.memory_space<hbm>> -> memref<72x768xf32, #tpu.memory_space<hbm>>
    tpu.enqueue_dma source(%arg8 : memref<72x768xf32, #tpu.memory_space<vmem>>) target(%dma_start3A_94 : memref<72x768xf32, #tpu.memory_space<hbm>>) target_semaphore(%arg11 : memref<!tpu.dma_semaphore, #tpu.memory_space<semaphore_mem>>)
    %mul3A_95 = arith.constant 2 : i32
    %mul3A_96 = arith.muli %add3A, %mul3A_95 : i32
    %add3A_97 = arith.constant 0 : i32
    %add3A_98 = arith.addi %mul3A_96, %add3A_97 : i32
    %dma_wait3A_99 = arith.constant 0 : i32
    %dma_wait3A_100 = tpu.memref_slice %arg4[%add3A_64, %dma_wait3A_99] : memref<27648x768xf32, #tpu.memory_space<hbm>> -> memref<72x768xf32, #tpu.memory_space<hbm>>
    %dma_wait3A_101 = arith.constant 0 : i32
    %dma_wait3A_102 = tpu.memref_slice %arg4[%add3A_64, %dma_wait3A_101] : memref<27648x768xf32, #tpu.memory_space<hbm>> -> memref<72x768xf32, #tpu.memory_space<hbm>>
    tpu.wait_dma2 semaphore(%arg10 : memref<!tpu.dma_semaphore, #tpu.memory_space<semaphore_mem>>) src(%arg7 : memref<72x768xf32, #tpu.memory_space<vmem>>) dst(%dma_wait3A_102 : memref<72x768xf32, #tpu.memory_space<hbm>>)
    %mul3A_103 = arith.constant 576 : i32
    %mul3A_104 = arith.muli %add3A_98, %mul3A_103 : i32
    %add3A_105 = arith.constant 288 : i32
    %add3A_106 = arith.addi %mul3A_104, %add3A_105 : i32
    "tpu.region"() ({
      %run_scoped3A = tpu.sem_alloc : memref<!tpu.dma_semaphore, #tpu.memory_space<semaphore_mem>>
      %dma_start3A_311 = tpu.memref_slice %arg3[%add3A_106] : memref<36864xi32, #tpu.memory_space<hbm>> -> memref<72xi32, #tpu.memory_space<hbm>>
      %dma_start3A_312 = tpu.memref_slice %arg3[%add3A_106] : memref<36864xi32, #tpu.memory_space<hbm>> -> memref<72xi32, #tpu.memory_space<hbm>>
      tpu.enqueue_dma source(%dma_start3A_312 : memref<72xi32, #tpu.memory_space<hbm>>) target(%arg5 : memref<72xi32, #tpu.memory_space<vmem>>) target_semaphore(%run_scoped3A : memref<!tpu.dma_semaphore, #tpu.memory_space<semaphore_mem>>)
      %dma_wait3A_313 = tpu.memref_slice %arg3[%add3A_106] : memref<36864xi32, #tpu.memory_space<hbm>> -> memref<72xi32, #tpu.memory_space<hbm>>
      %dma_wait3A_314 = tpu.memref_slice %arg3[%add3A_106] : memref<36864xi32, #tpu.memory_space<hbm>> -> memref<72xi32, #tpu.memory_space<hbm>>
      tpu.wait_dma2 semaphore(%run_scoped3A : memref<!tpu.dma_semaphore, #tpu.memory_space<semaphore_mem>>) src(%dma_wait3A_314 : memref<72xi32, #tpu.memory_space<hbm>>) dst(%arg5 : memref<72xi32, #tpu.memory_space<vmem>>)
      tpu.yield
    }) : () -> ()
    %dma_start3A_107 = arith.constant 0 : i32
    %dma_start3A_108 = arith.constant 0 : i32
    %dma_start3A_109 = tpu.memref_slice %arg2[%dma_start3A_107, %dma_start3A_108] : memref<576x768xf32, #tpu.memory_space<hbm>> -> memref<576x768xf32, #tpu.memory_space<hbm>>
    tpu.enqueue_indirect_dma source(%dma_start3A_109 : memref<576x768xf32, #tpu.memory_space<hbm>>) target(%arg7 : memref<72x768xf32, #tpu.memory_space<vmem>>) offsets(%arg5 : memref<72xi32, #tpu.memory_space<vmem>>) semaphore(%arg9 : memref<!tpu.dma_semaphore, #tpu.memory_space<semaphore_mem>>)
    %dma_wait3A_110 = arith.constant 0 : i32
    %dma_wait3A_111 = arith.constant 0 : i32
    %dma_wait3A_112 = tpu.memref_slice %arg2[%dma_wait3A_110, %dma_wait3A_111] : memref<576x768xf32, #tpu.memory_space<hbm>> -> memref<576x768xf32, #tpu.memory_space<hbm>>
    tpu.wait_indirect_dma semaphore(%arg9 : memref<!tpu.dma_semaphore, #tpu.memory_space<semaphore_mem>>) src(%dma_wait3A_112 : memref<576x768xf32, #tpu.memory_space<hbm>>) dst(%arg7 : memref<72x768xf32, #tpu.memory_space<vmem>>)
    %mul3A_113 = arith.constant 432 : i32
    %mul3A_114 = arith.muli %add3A_98, %mul3A_113 : i32
    %add3A_115 = arith.constant 288 : i32
    %add3A_116 = arith.addi %mul3A_114, %add3A_115 : i32
    %dma_start3A_117 = arith.constant 0 : i32
    %dma_start3A_118 = tpu.memref_slice %arg4[%add3A_116, %dma_start3A_117] : memref<27648x768xf32, #tpu.memory_space<hbm>> -> memref<72x768xf32, #tpu.memory_space<hbm>>
    %dma_start3A_119 = arith.constant 0 : i32
    %dma_start3A_120 = tpu.memref_slice %arg4[%add3A_116, %dma_start3A_119] : memref<27648x768xf32, #tpu.memory_space<hbm>> -> memref<72x768xf32, #tpu.memory_space<hbm>>
    tpu.enqueue_dma source(%arg7 : memref<72x768xf32, #tpu.memory_space<vmem>>) target(%dma_start3A_120 : memref<72x768xf32, #tpu.memory_space<hbm>>) target_semaphore(%arg10 : memref<!tpu.dma_semaphore, #tpu.memory_space<semaphore_mem>>)
    %mul3A_121 = arith.constant 2 : i32
    %mul3A_122 = arith.muli %add3A, %mul3A_121 : i32
    %add3A_123 = arith.constant 0 : i32
    %add3A_124 = arith.addi %mul3A_122, %add3A_123 : i32
    %dma_wait3A_125 = arith.constant 0 : i32
    %dma_wait3A_126 = tpu.memref_slice %arg4[%add3A_90, %dma_wait3A_125] : memref<27648x768xf32, #tpu.memory_space<hbm>> -> memref<72x768xf32, #tpu.memory_space<hbm>>
    %dma_wait3A_127 = arith.constant 0 : i32
    %dma_wait3A_128 = tpu.memref_slice %arg4[%add3A_90, %dma_wait3A_127] : memref<27648x768xf32, #tpu.memory_space<hbm>> -> memref<72x768xf32, #tpu.memory_space<hbm>>
    tpu.wait_dma2 semaphore(%arg11 : memref<!tpu.dma_semaphore, #tpu.memory_space<semaphore_mem>>) src(%arg8 : memref<72x768xf32, #tpu.memory_space<vmem>>) dst(%dma_wait3A_128 : memref<72x768xf32, #tpu.memory_space<hbm>>)
    %mul3A_129 = arith.constant 576 : i32
    %mul3A_130 = arith.muli %add3A_124, %mul3A_129 : i32
    %add3A_131 = arith.constant 360 : i32
    %add3A_132 = arith.addi %mul3A_130, %add3A_131 : i32
    "tpu.region"() ({
      %run_scoped3A = tpu.sem_alloc : memref<!tpu.dma_semaphore, #tpu.memory_space<semaphore_mem>>
      %dma_start3A_311 = tpu.memref_slice %arg3[%add3A_132] : memref<36864xi32, #tpu.memory_space<hbm>> -> memref<72xi32, #tpu.memory_space<hbm>>
      %dma_start3A_312 = tpu.memref_slice %arg3[%add3A_132] : memref<36864xi32, #tpu.memory_space<hbm>> -> memref<72xi32, #tpu.memory_space<hbm>>
      tpu.enqueue_dma source(%dma_start3A_312 : memref<72xi32, #tpu.memory_space<hbm>>) target(%arg6 : memref<72xi32, #tpu.memory_space<vmem>>) target_semaphore(%run_scoped3A : memref<!tpu.dma_semaphore, #tpu.memory_space<semaphore_mem>>)
      %dma_wait3A_313 = tpu.memref_slice %arg3[%add3A_132] : memref<36864xi32, #tpu.memory_space<hbm>> -> memref<72xi32, #tpu.memory_space<hbm>>
      %dma_wait3A_314 = tpu.memref_slice %arg3[%add3A_132] : memref<36864xi32, #tpu.memory_space<hbm>> -> memref<72xi32, #tpu.memory_space<hbm>>
      tpu.wait_dma2 semaphore(%run_scoped3A : memref<!tpu.dma_semaphore, #tpu.memory_space<semaphore_mem>>) src(%dma_wait3A_314 : memref<72xi32, #tpu.memory_space<hbm>>) dst(%arg6 : memref<72xi32, #tpu.memory_space<vmem>>)
      tpu.yield
    }) : () -> ()
    %dma_start3A_133 = arith.constant 0 : i32
    %dma_start3A_134 = arith.constant 0 : i32
    %dma_start3A_135 = tpu.memref_slice %arg2[%dma_start3A_133, %dma_start3A_134] : memref<576x768xf32, #tpu.memory_space<hbm>> -> memref<576x768xf32, #tpu.memory_space<hbm>>
    tpu.enqueue_indirect_dma source(%dma_start3A_135 : memref<576x768xf32, #tpu.memory_space<hbm>>) target(%arg8 : memref<72x768xf32, #tpu.memory_space<vmem>>) offsets(%arg6 : memref<72xi32, #tpu.memory_space<vmem>>) semaphore(%arg9 : memref<!tpu.dma_semaphore, #tpu.memory_space<semaphore_mem>>)
    %dma_wait3A_136 = arith.constant 0 : i32
    %dma_wait3A_137 = arith.constant 0 : i32
    %dma_wait3A_138 = tpu.memref_slice %arg2[%dma_wait3A_136, %dma_wait3A_137] : memref<576x768xf32, #tpu.memory_space<hbm>> -> memref<576x768xf32, #tpu.memory_space<hbm>>
    tpu.wait_indirect_dma semaphore(%arg9 : memref<!tpu.dma_semaphore, #tpu.memory_space<semaphore_mem>>) src(%dma_wait3A_138 : memref<576x768xf32, #tpu.memory_space<hbm>>) dst(%arg8 : memref<72x768xf32, #tpu.memory_space<vmem>>)
    %mul3A_139 = arith.constant 432 : i32
    %mul3A_140 = arith.muli %add3A_124, %mul3A_139 : i32
    %add3A_141 = arith.constant 360 : i32
    %add3A_142 = arith.addi %mul3A_140, %add3A_141 : i32
    %dma_start3A_143 = arith.constant 0 : i32
    %dma_start3A_144 = tpu.memref_slice %arg4[%add3A_142, %dma_start3A_143] : memref<27648x768xf32, #tpu.memory_space<hbm>> -> memref<72x768xf32, #tpu.memory_space<hbm>>
    %dma_start3A_145 = arith.constant 0 : i32
    %dma_start3A_146 = tpu.memref_slice %arg4[%add3A_142, %dma_start3A_145] : memref<27648x768xf32, #tpu.memory_space<hbm>> -> memref<72x768xf32, #tpu.memory_space<hbm>>
    tpu.enqueue_dma source(%arg8 : memref<72x768xf32, #tpu.memory_space<vmem>>) target(%dma_start3A_146 : memref<72x768xf32, #tpu.memory_space<hbm>>) target_semaphore(%arg11 : memref<!tpu.dma_semaphore, #tpu.memory_space<semaphore_mem>>)
    %mul3A_147 = arith.constant 2 : i32
    %mul3A_148 = arith.muli %add3A, %mul3A_147 : i32
    %add3A_149 = arith.constant 1 : i32
    %add3A_150 = arith.addi %mul3A_148, %add3A_149 : i32
    %dma_wait3A_151 = arith.constant 0 : i32
    %dma_wait3A_152 = tpu.memref_slice %arg4[%add3A_116, %dma_wait3A_151] : memref<27648x768xf32, #tpu.memory_space<hbm>> -> memref<72x768xf32, #tpu.memory_space<hbm>>
    %dma_wait3A_153 = arith.constant 0 : i32
    %dma_wait3A_154 = tpu.memref_slice %arg4[%add3A_116, %dma_wait3A_153] : memref<27648x768xf32, #tpu.memory_space<hbm>> -> memref<72x768xf32, #tpu.memory_space<hbm>>
    tpu.wait_dma2 semaphore(%arg10 : memref<!tpu.dma_semaphore, #tpu.memory_space<semaphore_mem>>) src(%arg7 : memref<72x768xf32, #tpu.memory_space<vmem>>) dst(%dma_wait3A_154 : memref<72x768xf32, #tpu.memory_space<hbm>>)
    %mul3A_155 = arith.constant 576 : i32
    %mul3A_156 = arith.muli %add3A_150, %mul3A_155 : i32
    %add3A_157 = arith.constant 0 : i32
    %add3A_158 = arith.addi %mul3A_156, %add3A_157 : i32
    "tpu.region"() ({
      %run_scoped3A = tpu.sem_alloc : memref<!tpu.dma_semaphore, #tpu.memory_space<semaphore_mem>>
      %dma_start3A_311 = tpu.memref_slice %arg3[%add3A_158] : memref<36864xi32, #tpu.memory_space<hbm>> -> memref<72xi32, #tpu.memory_space<hbm>>
      %dma_start3A_312 = tpu.memref_slice %arg3[%add3A_158] : memref<36864xi32, #tpu.memory_space<hbm>> -> memref<72xi32, #tpu.memory_space<hbm>>
      tpu.enqueue_dma source(%dma_start3A_312 : memref<72xi32, #tpu.memory_space<hbm>>) target(%arg5 : memref<72xi32, #tpu.memory_space<vmem>>) target_semaphore(%run_scoped3A : memref<!tpu.dma_semaphore, #tpu.memory_space<semaphore_mem>>)
      %dma_wait3A_313 = tpu.memref_slice %arg3[%add3A_158] : memref<36864xi32, #tpu.memory_space<hbm>> -> memref<72xi32, #tpu.memory_space<hbm>>
      %dma_wait3A_314 = tpu.memref_slice %arg3[%add3A_158] : memref<36864xi32, #tpu.memory_space<hbm>> -> memref<72xi32, #tpu.memory_space<hbm>>
      tpu.wait_dma2 semaphore(%run_scoped3A : memref<!tpu.dma_semaphore, #tpu.memory_space<semaphore_mem>>) src(%dma_wait3A_314 : memref<72xi32, #tpu.memory_space<hbm>>) dst(%arg5 : memref<72xi32, #tpu.memory_space<vmem>>)
      tpu.yield
    }) : () -> ()
    %dma_start3A_159 = arith.constant 0 : i32
    %dma_start3A_160 = arith.constant 0 : i32
    %dma_start3A_161 = tpu.memref_slice %arg2[%dma_start3A_159, %dma_start3A_160] : memref<576x768xf32, #tpu.memory_space<hbm>> -> memref<576x768xf32, #tpu.memory_space<hbm>>
    tpu.enqueue_indirect_dma source(%dma_start3A_161 : memref<576x768xf32, #tpu.memory_space<hbm>>) target(%arg7 : memref<72x768xf32, #tpu.memory_space<vmem>>) offsets(%arg5 : memref<72xi32, #tpu.memory_space<vmem>>) semaphore(%arg9 : memref<!tpu.dma_semaphore, #tpu.memory_space<semaphore_mem>>)
    %dma_wait3A_162 = arith.constant 0 : i32
    %dma_wait3A_163 = arith.constant 0 : i32
    %dma_wait3A_164 = tpu.memref_slice %arg2[%dma_wait3A_162, %dma_wait3A_163] : memref<576x768xf32, #tpu.memory_space<hbm>> -> memref<576x768xf32, #tpu.memory_space<hbm>>
    tpu.wait_indirect_dma semaphore(%arg9 : memref<!tpu.dma_semaphore, #tpu.memory_space<semaphore_mem>>) src(%dma_wait3A_164 : memref<576x768xf32, #tpu.memory_space<hbm>>) dst(%arg7 : memref<72x768xf32, #tpu.memory_space<vmem>>)
    %mul3A_165 = arith.constant 432 : i32
    %mul3A_166 = arith.muli %add3A_150, %mul3A_165 : i32
    %add3A_167 = arith.constant 0 : i32
    %add3A_168 = arith.addi %mul3A_166, %add3A_167 : i32
    %dma_start3A_169 = arith.constant 0 : i32
    %dma_start3A_170 = tpu.memref_slice %arg4[%add3A_168, %dma_start3A_169] : memref<27648x768xf32, #tpu.memory_space<hbm>> -> memref<72x768xf32, #tpu.memory_space<hbm>>
    %dma_start3A_171 = arith.constant 0 : i32
    %dma_start3A_172 = tpu.memref_slice %arg4[%add3A_168, %dma_start3A_171] : memref<27648x768xf32, #tpu.memory_space<hbm>> -> memref<72x768xf32, #tpu.memory_space<hbm>>
    tpu.enqueue_dma source(%arg7 : memref<72x768xf32, #tpu.memory_space<vmem>>) target(%dma_start3A_172 : memref<72x768xf32, #tpu.memory_space<hbm>>) target_semaphore(%arg10 : memref<!tpu.dma_semaphore, #tpu.memory_space<semaphore_mem>>)
    %mul3A_173 = arith.constant 2 : i32
    %mul3A_174 = arith.muli %add3A, %mul3A_173 : i32
    %add3A_175 = arith.constant 1 : i32
    %add3A_176 = arith.addi %mul3A_174, %add3A_175 : i32
    %dma_wait3A_177 = arith.constant 0 : i32
    %dma_wait3A_178 = tpu.memref_slice %arg4[%add3A_142, %dma_wait3A_177] : memref<27648x768xf32, #tpu.memory_space<hbm>> -> memref<72x768xf32, #tpu.memory_space<hbm>>
    %dma_wait3A_179 = arith.constant 0 : i32
    %dma_wait3A_180 = tpu.memref_slice %arg4[%add3A_142, %dma_wait3A_179] : memref<27648x768xf32, #tpu.memory_space<hbm>> -> memref<72x768xf32, #tpu.memory_space<hbm>>
    tpu.wait_dma2 semaphore(%arg11 : memref<!tpu.dma_semaphore, #tpu.memory_space<semaphore_mem>>) src(%arg8 : memref<72x768xf32, #tpu.memory_space<vmem>>) dst(%dma_wait3A_180 : memref<72x768xf32, #tpu.memory_space<hbm>>)
    %mul3A_181 = arith.constant 576 : i32
    %mul3A_182 = arith.muli %add3A_176, %mul3A_181 : i32
    %add3A_183 = arith.constant 72 : i32
    %add3A_184 = arith.addi %mul3A_182, %add3A_183 : i32
    "tpu.region"() ({
      %run_scoped3A = tpu.sem_alloc : memref<!tpu.dma_semaphore, #tpu.memory_space<semaphore_mem>>
      %dma_start3A_311 = tpu.memref_slice %arg3[%add3A_184] : memref<36864xi32, #tpu.memory_space<hbm>> -> memref<72xi32, #tpu.memory_space<hbm>>
      %dma_start3A_312 = tpu.memref_slice %arg3[%add3A_184] : memref<36864xi32, #tpu.memory_space<hbm>> -> memref<72xi32, #tpu.memory_space<hbm>>
      tpu.enqueue_dma source(%dma_start3A_312 : memref<72xi32, #tpu.memory_space<hbm>>) target(%arg6 : memref<72xi32, #tpu.memory_space<vmem>>) target_semaphore(%run_scoped3A : memref<!tpu.dma_semaphore, #tpu.memory_space<semaphore_mem>>)
      %dma_wait3A_313 = tpu.memref_slice %arg3[%add3A_184] : memref<36864xi32, #tpu.memory_space<hbm>> -> memref<72xi32, #tpu.memory_space<hbm>>
      %dma_wait3A_314 = tpu.memref_slice %arg3[%add3A_184] : memref<36864xi32, #tpu.memory_space<hbm>> -> memref<72xi32, #tpu.memory_space<hbm>>
      tpu.wait_dma2 semaphore(%run_scoped3A : memref<!tpu.dma_semaphore, #tpu.memory_space<semaphore_mem>>) src(%dma_wait3A_314 : memref<72xi32, #tpu.memory_space<hbm>>) dst(%arg6 : memref<72xi32, #tpu.memory_space<vmem>>)
      tpu.yield
    }) : () -> ()
    %dma_start3A_185 = arith.constant 0 : i32
    %dma_start3A_186 = arith.constant 0 : i32
    %dma_start3A_187 = tpu.memref_slice %arg2[%dma_start3A_185, %dma_start3A_186] : memref<576x768xf32, #tpu.memory_space<hbm>> -> memref<576x768xf32, #tpu.memory_space<hbm>>
    tpu.enqueue_indirect_dma source(%dma_start3A_187 : memref<576x768xf32, #tpu.memory_space<hbm>>) target(%arg8 : memref<72x768xf32, #tpu.memory_space<vmem>>) offsets(%arg6 : memref<72xi32, #tpu.memory_space<vmem>>) semaphore(%arg9 : memref<!tpu.dma_semaphore, #tpu.memory_space<semaphore_mem>>)
    %dma_wait3A_188 = arith.constant 0 : i32
    %dma_wait3A_189 = arith.constant 0 : i32
    %dma_wait3A_190 = tpu.memref_slice %arg2[%dma_wait3A_188, %dma_wait3A_189] : memref<576x768xf32, #tpu.memory_space<hbm>> -> memref<576x768xf32, #tpu.memory_space<hbm>>
    tpu.wait_indirect_dma semaphore(%arg9 : memref<!tpu.dma_semaphore, #tpu.memory_space<semaphore_mem>>) src(%dma_wait3A_190 : memref<576x768xf32, #tpu.memory_space<hbm>>) dst(%arg8 : memref<72x768xf32, #tpu.memory_space<vmem>>)
    %mul3A_191 = arith.constant 432 : i32
    %mul3A_192 = arith.muli %add3A_176, %mul3A_191 : i32
    %add3A_193 = arith.constant 72 : i32
    %add3A_194 = arith.addi %mul3A_192, %add3A_193 : i32
    %dma_start3A_195 = arith.constant 0 : i32
    %dma_start3A_196 = tpu.memref_slice %arg4[%add3A_194, %dma_start3A_195] : memref<27648x768xf32, #tpu.memory_space<hbm>> -> memref<72x768xf32, #tpu.memory_space<hbm>>
    %dma_start3A_197 = arith.constant 0 : i32
    %dma_start3A_198 = tpu.memref_slice %arg4[%add3A_194, %dma_start3A_197] : memref<27648x768xf32, #tpu.memory_space<hbm>> -> memref<72x768xf32, #tpu.memory_space<hbm>>
    tpu.enqueue_dma source(%arg8 : memref<72x768xf32, #tpu.memory_space<vmem>>) target(%dma_start3A_198 : memref<72x768xf32, #tpu.memory_space<hbm>>) target_semaphore(%arg11 : memref<!tpu.dma_semaphore, #tpu.memory_space<semaphore_mem>>)
    %mul3A_199 = arith.constant 2 : i32
    %mul3A_200 = arith.muli %add3A, %mul3A_199 : i32
    %add3A_201 = arith.constant 1 : i32
    %add3A_202 = arith.addi %mul3A_200, %add3A_201 : i32
    %dma_wait3A_203 = arith.constant 0 : i32
    %dma_wait3A_204 = tpu.memref_slice %arg4[%add3A_168, %dma_wait3A_203] : memref<27648x768xf32, #tpu.memory_space<hbm>> -> memref<72x768xf32, #tpu.memory_space<hbm>>
    %dma_wait3A_205 = arith.constant 0 : i32
    %dma_wait3A_206 = tpu.memref_slice %arg4[%add3A_168, %dma_wait3A_205] : memref<27648x768xf32, #tpu.memory_space<hbm>> -> memref<72x768xf32, #tpu.memory_space<hbm>>
    tpu.wait_dma2 semaphore(%arg10 : memref<!tpu.dma_semaphore, #tpu.memory_space<semaphore_mem>>) src(%arg7 : memref<72x768xf32, #tpu.memory_space<vmem>>) dst(%dma_wait3A_206 : memref<72x768xf32, #tpu.memory_space<hbm>>)
    %mul3A_207 = arith.constant 576 : i32
    %mul3A_208 = arith.muli %add3A_202, %mul3A_207 : i32
    %add3A_209 = arith.constant 144 : i32
    %add3A_210 = arith.addi %mul3A_208, %add3A_209 : i32
    "tpu.region"() ({
      %run_scoped3A = tpu.sem_alloc : memref<!tpu.dma_semaphore, #tpu.memory_space<semaphore_mem>>
      %dma_start3A_311 = tpu.memref_slice %arg3[%add3A_210] : memref<36864xi32, #tpu.memory_space<hbm>> -> memref<72xi32, #tpu.memory_space<hbm>>
      %dma_start3A_312 = tpu.memref_slice %arg3[%add3A_210] : memref<36864xi32, #tpu.memory_space<hbm>> -> memref<72xi32, #tpu.memory_space<hbm>>
      tpu.enqueue_dma source(%dma_start3A_312 : memref<72xi32, #tpu.memory_space<hbm>>) target(%arg5 : memref<72xi32, #tpu.memory_space<vmem>>) target_semaphore(%run_scoped3A : memref<!tpu.dma_semaphore, #tpu.memory_space<semaphore_mem>>)
      %dma_wait3A_313 = tpu.memref_slice %arg3[%add3A_210] : memref<36864xi32, #tpu.memory_space<hbm>> -> memref<72xi32, #tpu.memory_space<hbm>>
      %dma_wait3A_314 = tpu.memref_slice %arg3[%add3A_210] : memref<36864xi32, #tpu.memory_space<hbm>> -> memref<72xi32, #tpu.memory_space<hbm>>
      tpu.wait_dma2 semaphore(%run_scoped3A : memref<!tpu.dma_semaphore, #tpu.memory_space<semaphore_mem>>) src(%dma_wait3A_314 : memref<72xi32, #tpu.memory_space<hbm>>) dst(%arg5 : memref<72xi32, #tpu.memory_space<vmem>>)
      tpu.yield
    }) : () -> ()
    %dma_start3A_211 = arith.constant 0 : i32
    %dma_start3A_212 = arith.constant 0 : i32
    %dma_start3A_213 = tpu.memref_slice %arg2[%dma_start3A_211, %dma_start3A_212] : memref<576x768xf32, #tpu.memory_space<hbm>> -> memref<576x768xf32, #tpu.memory_space<hbm>>
    tpu.enqueue_indirect_dma source(%dma_start3A_213 : memref<576x768xf32, #tpu.memory_space<hbm>>) target(%arg7 : memref<72x768xf32, #tpu.memory_space<vmem>>) offsets(%arg5 : memref<72xi32, #tpu.memory_space<vmem>>) semaphore(%arg9 : memref<!tpu.dma_semaphore, #tpu.memory_space<semaphore_mem>>)
    %dma_wait3A_214 = arith.constant 0 : i32
    %dma_wait3A_215 = arith.constant 0 : i32
    %dma_wait3A_216 = tpu.memref_slice %arg2[%dma_wait3A_214, %dma_wait3A_215] : memref<576x768xf32, #tpu.memory_space<hbm>> -> memref<576x768xf32, #tpu.memory_space<hbm>>
    tpu.wait_indirect_dma semaphore(%arg9 : memref<!tpu.dma_semaphore, #tpu.memory_space<semaphore_mem>>) src(%dma_wait3A_216 : memref<576x768xf32, #tpu.memory_space<hbm>>) dst(%arg7 : memref<72x768xf32, #tpu.memory_space<vmem>>)
    %mul3A_217 = arith.constant 432 : i32
    %mul3A_218 = arith.muli %add3A_202, %mul3A_217 : i32
    %add3A_219 = arith.constant 144 : i32
    %add3A_220 = arith.addi %mul3A_218, %add3A_219 : i32
    %dma_start3A_221 = arith.constant 0 : i32
    %dma_start3A_222 = tpu.memref_slice %arg4[%add3A_220, %dma_start3A_221] : memref<27648x768xf32, #tpu.memory_space<hbm>> -> memref<72x768xf32, #tpu.memory_space<hbm>>
    %dma_start3A_223 = arith.constant 0 : i32
    %dma_start3A_224 = tpu.memref_slice %arg4[%add3A_220, %dma_start3A_223] : memref<27648x768xf32, #tpu.memory_space<hbm>> -> memref<72x768xf32, #tpu.memory_space<hbm>>
    tpu.enqueue_dma source(%arg7 : memref<72x768xf32, #tpu.memory_space<vmem>>) target(%dma_start3A_224 : memref<72x768xf32, #tpu.memory_space<hbm>>) target_semaphore(%arg10 : memref<!tpu.dma_semaphore, #tpu.memory_space<semaphore_mem>>)
    %mul3A_225 = arith.constant 2 : i32
    %mul3A_226 = arith.muli %add3A, %mul3A_225 : i32
    %add3A_227 = arith.constant 1 : i32
    %add3A_228 = arith.addi %mul3A_226, %add3A_227 : i32
    %dma_wait3A_229 = arith.constant 0 : i32
    %dma_wait3A_230 = tpu.memref_slice %arg4[%add3A_194, %dma_wait3A_229] : memref<27648x768xf32, #tpu.memory_space<hbm>> -> memref<72x768xf32, #tpu.memory_space<hbm>>
    %dma_wait3A_231 = arith.constant 0 : i32
    %dma_wait3A_232 = tpu.memref_slice %arg4[%add3A_194, %dma_wait3A_231] : memref<27648x768xf32, #tpu.memory_space<hbm>> -> memref<72x768xf32, #tpu.memory_space<hbm>>
    tpu.wait_dma2 semaphore(%arg11 : memref<!tpu.dma_semaphore, #tpu.memory_space<semaphore_mem>>) src(%arg8 : memref<72x768xf32, #tpu.memory_space<vmem>>) dst(%dma_wait3A_232 : memref<72x768xf32, #tpu.memory_space<hbm>>)
    %mul3A_233 = arith.constant 576 : i32
    %mul3A_234 = arith.muli %add3A_228, %mul3A_233 : i32
    %add3A_235 = arith.constant 216 : i32
    %add3A_236 = arith.addi %mul3A_234, %add3A_235 : i32
    "tpu.region"() ({
      %run_scoped3A = tpu.sem_alloc : memref<!tpu.dma_semaphore, #tpu.memory_space<semaphore_mem>>
      %dma_start3A_311 = tpu.memref_slice %arg3[%add3A_236] : memref<36864xi32, #tpu.memory_space<hbm>> -> memref<72xi32, #tpu.memory_space<hbm>>
      %dma_start3A_312 = tpu.memref_slice %arg3[%add3A_236] : memref<36864xi32, #tpu.memory_space<hbm>> -> memref<72xi32, #tpu.memory_space<hbm>>
      tpu.enqueue_dma source(%dma_start3A_312 : memref<72xi32, #tpu.memory_space<hbm>>) target(%arg6 : memref<72xi32, #tpu.memory_space<vmem>>) target_semaphore(%run_scoped3A : memref<!tpu.dma_semaphore, #tpu.memory_space<semaphore_mem>>)
      %dma_wait3A_313 = tpu.memref_slice %arg3[%add3A_236] : memref<36864xi32, #tpu.memory_space<hbm>> -> memref<72xi32, #tpu.memory_space<hbm>>
      %dma_wait3A_314 = tpu.memref_slice %arg3[%add3A_236] : memref<36864xi32, #tpu.memory_space<hbm>> -> memref<72xi32, #tpu.memory_space<hbm>>
      tpu.wait_dma2 semaphore(%run_scoped3A : memref<!tpu.dma_semaphore, #tpu.memory_space<semaphore_mem>>) src(%dma_wait3A_314 : memref<72xi32, #tpu.memory_space<hbm>>) dst(%arg6 : memref<72xi32, #tpu.memory_space<vmem>>)
      tpu.yield
    }) : () -> ()
    %dma_start3A_237 = arith.constant 0 : i32
    %dma_start3A_238 = arith.constant 0 : i32
    %dma_start3A_239 = tpu.memref_slice %arg2[%dma_start3A_237, %dma_start3A_238] : memref<576x768xf32, #tpu.memory_space<hbm>> -> memref<576x768xf32, #tpu.memory_space<hbm>>
    tpu.enqueue_indirect_dma source(%dma_start3A_239 : memref<576x768xf32, #tpu.memory_space<hbm>>) target(%arg8 : memref<72x768xf32, #tpu.memory_space<vmem>>) offsets(%arg6 : memref<72xi32, #tpu.memory_space<vmem>>) semaphore(%arg9 : memref<!tpu.dma_semaphore, #tpu.memory_space<semaphore_mem>>)
    %dma_wait3A_240 = arith.constant 0 : i32
    %dma_wait3A_241 = arith.constant 0 : i32
    %dma_wait3A_242 = tpu.memref_slice %arg2[%dma_wait3A_240, %dma_wait3A_241] : memref<576x768xf32, #tpu.memory_space<hbm>> -> memref<576x768xf32, #tpu.memory_space<hbm>>
    tpu.wait_indirect_dma semaphore(%arg9 : memref<!tpu.dma_semaphore, #tpu.memory_space<semaphore_mem>>) src(%dma_wait3A_242 : memref<576x768xf32, #tpu.memory_space<hbm>>) dst(%arg8 : memref<72x768xf32, #tpu.memory_space<vmem>>)
    %mul3A_243 = arith.constant 432 : i32
    %mul3A_244 = arith.muli %add3A_228, %mul3A_243 : i32
    %add3A_245 = arith.constant 216 : i32
    %add3A_246 = arith.addi %mul3A_244, %add3A_245 : i32
    %dma_start3A_247 = arith.constant 0 : i32
    %dma_start3A_248 = tpu.memref_slice %arg4[%add3A_246, %dma_start3A_247] : memref<27648x768xf32, #tpu.memory_space<hbm>> -> memref<72x768xf32, #tpu.memory_space<hbm>>
    %dma_start3A_249 = arith.constant 0 : i32
    %dma_start3A_250 = tpu.memref_slice %arg4[%add3A_246, %dma_start3A_249] : memref<27648x768xf32, #tpu.memory_space<hbm>> -> memref<72x768xf32, #tpu.memory_space<hbm>>
    tpu.enqueue_dma source(%arg8 : memref<72x768xf32, #tpu.memory_space<vmem>>) target(%dma_start3A_250 : memref<72x768xf32, #tpu.memory_space<hbm>>) target_semaphore(%arg11 : memref<!tpu.dma_semaphore, #tpu.memory_space<semaphore_mem>>)
    %mul3A_251 = arith.constant 2 : i32
    %mul3A_252 = arith.muli %add3A, %mul3A_251 : i32
    %add3A_253 = arith.constant 1 : i32
    %add3A_254 = arith.addi %mul3A_252, %add3A_253 : i32
    %dma_wait3A_255 = arith.constant 0 : i32
    %dma_wait3A_256 = tpu.memref_slice %arg4[%add3A_220, %dma_wait3A_255] : memref<27648x768xf32, #tpu.memory_space<hbm>> -> memref<72x768xf32, #tpu.memory_space<hbm>>
    %dma_wait3A_257 = arith.constant 0 : i32
    %dma_wait3A_258 = tpu.memref_slice %arg4[%add3A_220, %dma_wait3A_257] : memref<27648x768xf32, #tpu.memory_space<hbm>> -> memref<72x768xf32, #tpu.memory_space<hbm>>
    tpu.wait_dma2 semaphore(%arg10 : memref<!tpu.dma_semaphore, #tpu.memory_space<semaphore_mem>>) src(%arg7 : memref<72x768xf32, #tpu.memory_space<vmem>>) dst(%dma_wait3A_258 : memref<72x768xf32, #tpu.memory_space<hbm>>)
    %mul3A_259 = arith.constant 576 : i32
    %mul3A_260 = arith.muli %add3A_254, %mul3A_259 : i32
    %add3A_261 = arith.constant 288 : i32
    %add3A_262 = arith.addi %mul3A_260, %add3A_261 : i32
    "tpu.region"() ({
      %run_scoped3A = tpu.sem_alloc : memref<!tpu.dma_semaphore, #tpu.memory_space<semaphore_mem>>
      %dma_start3A_311 = tpu.memref_slice %arg3[%add3A_262] : memref<36864xi32, #tpu.memory_space<hbm>> -> memref<72xi32, #tpu.memory_space<hbm>>
      %dma_start3A_312 = tpu.memref_slice %arg3[%add3A_262] : memref<36864xi32, #tpu.memory_space<hbm>> -> memref<72xi32, #tpu.memory_space<hbm>>
      tpu.enqueue_dma source(%dma_start3A_312 : memref<72xi32, #tpu.memory_space<hbm>>) target(%arg5 : memref<72xi32, #tpu.memory_space<vmem>>) target_semaphore(%run_scoped3A : memref<!tpu.dma_semaphore, #tpu.memory_space<semaphore_mem>>)
      %dma_wait3A_313 = tpu.memref_slice %arg3[%add3A_262] : memref<36864xi32, #tpu.memory_space<hbm>> -> memref<72xi32, #tpu.memory_space<hbm>>
      %dma_wait3A_314 = tpu.memref_slice %arg3[%add3A_262] : memref<36864xi32, #tpu.memory_space<hbm>> -> memref<72xi32, #tpu.memory_space<hbm>>
      tpu.wait_dma2 semaphore(%run_scoped3A : memref<!tpu.dma_semaphore, #tpu.memory_space<semaphore_mem>>) src(%dma_wait3A_314 : memref<72xi32, #tpu.memory_space<hbm>>) dst(%arg5 : memref<72xi32, #tpu.memory_space<vmem>>)
      tpu.yield
    }) : () -> ()
    %dma_start3A_263 = arith.constant 0 : i32
    %dma_start3A_264 = arith.constant 0 : i32
    %dma_start3A_265 = tpu.memref_slice %arg2[%dma_start3A_263, %dma_start3A_264] : memref<576x768xf32, #tpu.memory_space<hbm>> -> memref<576x768xf32, #tpu.memory_space<hbm>>
    tpu.enqueue_indirect_dma source(%dma_start3A_265 : memref<576x768xf32, #tpu.memory_space<hbm>>) target(%arg7 : memref<72x768xf32, #tpu.memory_space<vmem>>) offsets(%arg5 : memref<72xi32, #tpu.memory_space<vmem>>) semaphore(%arg9 : memref<!tpu.dma_semaphore, #tpu.memory_space<semaphore_mem>>)
    %dma_wait3A_266 = arith.constant 0 : i32
    %dma_wait3A_267 = arith.constant 0 : i32
    %dma_wait3A_268 = tpu.memref_slice %arg2[%dma_wait3A_266, %dma_wait3A_267] : memref<576x768xf32, #tpu.memory_space<hbm>> -> memref<576x768xf32, #tpu.memory_space<hbm>>
    tpu.wait_indirect_dma semaphore(%arg9 : memref<!tpu.dma_semaphore, #tpu.memory_space<semaphore_mem>>) src(%dma_wait3A_268 : memref<576x768xf32, #tpu.memory_space<hbm>>) dst(%arg7 : memref<72x768xf32, #tpu.memory_space<vmem>>)
    %mul3A_269 = arith.constant 432 : i32
    %mul3A_270 = arith.muli %add3A_254, %mul3A_269 : i32
    %add3A_271 = arith.constant 288 : i32
    %add3A_272 = arith.addi %mul3A_270, %add3A_271 : i32
    %dma_start3A_273 = arith.constant 0 : i32
    %dma_start3A_274 = tpu.memref_slice %arg4[%add3A_272, %dma_start3A_273] : memref<27648x768xf32, #tpu.memory_space<hbm>> -> memref<72x768xf32, #tpu.memory_space<hbm>>
    %dma_start3A_275 = arith.constant 0 : i32
    %dma_start3A_276 = tpu.memref_slice %arg4[%add3A_272, %dma_start3A_275] : memref<27648x768xf32, #tpu.memory_space<hbm>> -> memref<72x768xf32, #tpu.memory_space<hbm>>
    tpu.enqueue_dma source(%arg7 : memref<72x768xf32, #tpu.memory_space<vmem>>) target(%dma_start3A_276 : memref<72x768xf32, #tpu.memory_space<hbm>>) target_semaphore(%arg10 : memref<!tpu.dma_semaphore, #tpu.memory_space<semaphore_mem>>)
    %mul3A_277 = arith.constant 2 : i32
    %mul3A_278 = arith.muli %add3A, %mul3A_277 : i32
    %add3A_279 = arith.constant 1 : i32
    %add3A_280 = arith.addi %mul3A_278, %add3A_279 : i32
    %dma_wait3A_281 = arith.constant 0 : i32
    %dma_wait3A_282 = tpu.memref_slice %arg4[%add3A_246, %dma_wait3A_281] : memref<27648x768xf32, #tpu.memory_space<hbm>> -> memref<72x768xf32, #tpu.memory_space<hbm>>
    %dma_wait3A_283 = arith.constant 0 : i32
    %dma_wait3A_284 = tpu.memref_slice %arg4[%add3A_246, %dma_wait3A_283] : memref<27648x768xf32, #tpu.memory_space<hbm>> -> memref<72x768xf32, #tpu.memory_space<hbm>>
    tpu.wait_dma2 semaphore(%arg11 : memref<!tpu.dma_semaphore, #tpu.memory_space<semaphore_mem>>) src(%arg8 : memref<72x768xf32, #tpu.memory_space<vmem>>) dst(%dma_wait3A_284 : memref<72x768xf32, #tpu.memory_space<hbm>>)
    %mul3A_285 = arith.constant 576 : i32
    %mul3A_286 = arith.muli %add3A_280, %mul3A_285 : i32
    %add3A_287 = arith.constant 360 : i32
    %add3A_288 = arith.addi %mul3A_286, %add3A_287 : i32
    "tpu.region"() ({
      %run_scoped3A = tpu.sem_alloc : memref<!tpu.dma_semaphore, #tpu.memory_space<semaphore_mem>>
      %dma_start3A_311 = tpu.memref_slice %arg3[%add3A_288] : memref<36864xi32, #tpu.memory_space<hbm>> -> memref<72xi32, #tpu.memory_space<hbm>>
      %dma_start3A_312 = tpu.memref_slice %arg3[%add3A_288] : memref<36864xi32, #tpu.memory_space<hbm>> -> memref<72xi32, #tpu.memory_space<hbm>>
      tpu.enqueue_dma source(%dma_start3A_312 : memref<72xi32, #tpu.memory_space<hbm>>) target(%arg6 : memref<72xi32, #tpu.memory_space<vmem>>) target_semaphore(%run_scoped3A : memref<!tpu.dma_semaphore, #tpu.memory_space<semaphore_mem>>)
      %dma_wait3A_313 = tpu.memref_slice %arg3[%add3A_288] : memref<36864xi32, #tpu.memory_space<hbm>> -> memref<72xi32, #tpu.memory_space<hbm>>
      %dma_wait3A_314 = tpu.memref_slice %arg3[%add3A_288] : memref<36864xi32, #tpu.memory_space<hbm>> -> memref<72xi32, #tpu.memory_space<hbm>>
      tpu.wait_dma2 semaphore(%run_scoped3A : memref<!tpu.dma_semaphore, #tpu.memory_space<semaphore_mem>>) src(%dma_wait3A_314 : memref<72xi32, #tpu.memory_space<hbm>>) dst(%arg6 : memref<72xi32, #tpu.memory_space<vmem>>)
      tpu.yield
    }) : () -> ()
    %dma_start3A_289 = arith.constant 0 : i32
    %dma_start3A_290 = arith.constant 0 : i32
    %dma_start3A_291 = tpu.memref_slice %arg2[%dma_start3A_289, %dma_start3A_290] : memref<576x768xf32, #tpu.memory_space<hbm>> -> memref<576x768xf32, #tpu.memory_space<hbm>>
    tpu.enqueue_indirect_dma source(%dma_start3A_291 : memref<576x768xf32, #tpu.memory_space<hbm>>) target(%arg8 : memref<72x768xf32, #tpu.memory_space<vmem>>) offsets(%arg6 : memref<72xi32, #tpu.memory_space<vmem>>) semaphore(%arg9 : memref<!tpu.dma_semaphore, #tpu.memory_space<semaphore_mem>>)
    %dma_wait3A_292 = arith.constant 0 : i32
    %dma_wait3A_293 = arith.constant 0 : i32
    %dma_wait3A_294 = tpu.memref_slice %arg2[%dma_wait3A_292, %dma_wait3A_293] : memref<576x768xf32, #tpu.memory_space<hbm>> -> memref<576x768xf32, #tpu.memory_space<hbm>>
    tpu.wait_indirect_dma semaphore(%arg9 : memref<!tpu.dma_semaphore, #tpu.memory_space<semaphore_mem>>) src(%dma_wait3A_294 : memref<576x768xf32, #tpu.memory_space<hbm>>) dst(%arg8 : memref<72x768xf32, #tpu.memory_space<vmem>>)
    %mul3A_295 = arith.constant 432 : i32
    %mul3A_296 = arith.muli %add3A_280, %mul3A_295 : i32
    %add3A_297 = arith.constant 360 : i32
    %add3A_298 = arith.addi %mul3A_296, %add3A_297 : i32
    %dma_start3A_299 = arith.constant 0 : i32
    %dma_start3A_300 = tpu.memref_slice %arg4[%add3A_298, %dma_start3A_299] : memref<27648x768xf32, #tpu.memory_space<hbm>> -> memref<72x768xf32, #tpu.memory_space<hbm>>
    %dma_start3A_301 = arith.constant 0 : i32
    %dma_start3A_302 = tpu.memref_slice %arg4[%add3A_298, %dma_start3A_301] : memref<27648x768xf32, #tpu.memory_space<hbm>> -> memref<72x768xf32, #tpu.memory_space<hbm>>
    tpu.enqueue_dma source(%arg8 : memref<72x768xf32, #tpu.memory_space<vmem>>) target(%dma_start3A_302 : memref<72x768xf32, #tpu.memory_space<hbm>>) target_semaphore(%arg11 : memref<!tpu.dma_semaphore, #tpu.memory_space<semaphore_mem>>)
    %dma_wait3A_303 = arith.constant 0 : i32
    %dma_wait3A_304 = tpu.memref_slice %arg4[%add3A_272, %dma_wait3A_303] : memref<27648x768xf32, #tpu.memory_space<hbm>> -> memref<72x768xf32, #tpu.memory_space<hbm>>
    %dma_wait3A_305 = arith.constant 0 : i32
    %dma_wait3A_306 = tpu.memref_slice %arg4[%add3A_272, %dma_wait3A_305] : memref<27648x768xf32, #tpu.memory_space<hbm>> -> memref<72x768xf32, #tpu.memory_space<hbm>>
    tpu.wait_dma2 semaphore(%arg10 : memref<!tpu.dma_semaphore, #tpu.memory_space<semaphore_mem>>) src(%arg7 : memref<72x768xf32, #tpu.memory_space<vmem>>) dst(%dma_wait3A_306 : memref<72x768xf32, #tpu.memory_space<hbm>>)
    %dma_wait3A_307 = arith.constant 0 : i32
    %dma_wait3A_308 = tpu.memref_slice %arg4[%add3A_298, %dma_wait3A_307] : memref<27648x768xf32, #tpu.memory_space<hbm>> -> memref<72x768xf32, #tpu.memory_space<hbm>>
    %dma_wait3A_309 = arith.constant 0 : i32
    %dma_wait3A_310 = tpu.memref_slice %arg4[%add3A_298, %dma_wait3A_309] : memref<27648x768xf32, #tpu.memory_space<hbm>> -> memref<72x768xf32, #tpu.memory_space<hbm>>
    tpu.wait_dma2 semaphore(%arg11 : memref<!tpu.dma_semaphore, #tpu.memory_space<semaphore_mem>>) src(%arg8 : memref<72x768xf32, #tpu.memory_space<vmem>>) dst(%dma_wait3A_310 : memref<72x768xf32, #tpu.memory_space<hbm>>)
    return
  }
}

module attributes {stable_mosaic.version = 14 : i64} {
  func.func @_sort_body(%arg0: i32, %arg1: memref<1x1x576xf32, #tpu.memory_space<vmem>>, %arg2: memref<1x576x1xf32, #tpu.memory_space<vmem>>, %arg3: memref<768x768xf32, #tpu.memory_space<vmem>>, %arg4: memref<1x768xf32, #tpu.memory_space<vmem>>, %arg5: memref<576x768xf32, #tpu.memory_space<vmem>>, %arg6: memref<1x768xf32, #tpu.memory_space<vmem>>, %arg7: memref<1x576x1xi32, #tpu.memory_space<vmem>>, %arg8: memref<576x768xf32, #tpu.memory_space<vmem>>, %arg9: memref<576x576xi32, #tpu.memory_space<vmem>>) attributes {dimension_semantics = [#tpu.dimension_semantics<arbitrary>], iteration_bounds = array<i64: 64>, scalar_prefetch = 0 : i64, scratch_operands = 1 : i64, tpu.core_type = #tpu.core_type<tc>, window_params = [{transform_indices = @transform_0, window_bounds = array<i64: 1, 1, 576>}, {transform_indices = @transform_1, window_bounds = array<i64: 1, 576, 1>}, {pipeline_mode = #tpu.pipeline_mode<synchronous>, transform_indices = @transform_2, window_bounds = array<i64: 768, 768>}, {pipeline_mode = #tpu.pipeline_mode<synchronous>, transform_indices = @transform_3, window_bounds = array<i64: 1, 768>}, {pipeline_mode = #tpu.pipeline_mode<synchronous>, transform_indices = @transform_4, window_bounds = array<i64: 576, 768>}, {pipeline_mode = #tpu.pipeline_mode<synchronous>, transform_indices = @transform_5, window_bounds = array<i64: 1, 768>}, {transform_indices = @transform_6, window_bounds = array<i64: 1, 576, 1>}, {pipeline_mode = #tpu.pipeline_mode<synchronous>, transform_indices = @transform_7, window_bounds = array<i64: 576, 768>}]} {
    %eq3A = arith.constant 0 : i32
    %eq3A_0 = arith.cmpi eq, %arg0, %eq3A : i32
    %convert_element_type3A = arith.extui %eq3A_0 : i1 to i32
    %cond3A = arith.constant 0 : i32
    %cond3A_1 = arith.cmpi ne, %convert_element_type3A, %cond3A : i32
    scf.if %cond3A_1 {
      %get3A_38 = arith.constant 0 : index
      %get3A_39 = arith.constant 0 : index
      %get3A_40 = vector.load %arg6[%get3A_38, %get3A_39] : memref<1x768xf32, #tpu.memory_space<vmem>>, vector<1x768xf32>
      %get3A_41 = arith.constant 0 : index
      %get3A_42 = arith.constant 0 : index
      %get3A_43 = vector.load %arg3[%get3A_41, %get3A_42] : memref<768x768xf32, #tpu.memory_space<vmem>>, vector<768x768xf32>
      %dot_general3A = arith.constant dense<0.000000e+00> : vector<1x768xf32>
      %dot_general3A_44 = tpu.matmul %get3A_40, %get3A_43, %dot_general3A {dimension_numbers = #tpu.dot_dimension_numbers<[1], [0], [0], [1], [0, 0, 1, 1], [], []>, transpose_lhs_hint = false} : vector<1x768xf32>, vector<768x768xf32>, vector<1x768xf32> -> vector<1x768xf32>
      %get3A_45 = arith.constant 0 : index
      %get3A_46 = arith.constant 0 : index
      %get3A_47 = vector.load %arg4[%get3A_45, %get3A_46] : memref<1x768xf32, #tpu.memory_space<vmem>>, vector<1x768xf32>
      %add3A_48 = arith.addf %dot_general3A_44, %get3A_47 : vector<1x768xf32>
      %get3A_49 = arith.constant 0 : index
      %get3A_50 = arith.constant 0 : index
      %get3A_51 = vector.load %arg5[%get3A_49, %get3A_50] : memref<576x768xf32, #tpu.memory_space<vmem>>, vector<576x768xf32>
      %add3A_52 = vector.broadcast %add3A_48 : vector<1x768xf32> to vector<576x768xf32>
      %add3A_53 = arith.addf %get3A_51, %add3A_52 : vector<576x768xf32>
      %swap3A_54 = arith.constant 0 : index
      %swap3A_55 = arith.constant 0 : index
      %swap3A_56 = vector.load %arg8[%swap3A_54, %swap3A_55] : memref<576x768xf32, #tpu.memory_space<vmem>>, vector<576x768xf32>
      tpu.vector_store %arg8[%swap3A_54, %swap3A_55], %add3A_53 {strides = array<i32>} : memref<576x768xf32, #tpu.memory_space<vmem>>, vector<576x768xf32>,
      %iota3A_57 = tpu.iota {dimensions = array<i32: 0>} : vector<576x576xi32>
      %iota3A_58 = tpu.iota {dimensions = array<i32: 1>} : vector<576x576xi32>
      %lt3A_59 = arith.cmpi slt, %iota3A_57, %iota3A_58 : vector<576x576xi32>
      %jit3A_60 = arith.constant 1 : i32
      %jit3A_61 = arith.constant 0 : i32
      %broadcast_in_dim3A_62 = vector.broadcast %jit3A_60 : i32 to vector<576x576xi32>
      %broadcast_in_dim3A_63 = vector.broadcast %jit3A_61 : i32 to vector<576x576xi32>
      %select_n3A_64 = arith.select %lt3A_59, %broadcast_in_dim3A_62, %broadcast_in_dim3A_63 : vector<576x576xi1>, vector<576x576xi32>
      %swap3A_65 = arith.constant 0 : index
      %swap3A_66 = arith.constant 0 : index
      %swap3A_67 = vector.load %arg9[%swap3A_65, %swap3A_66] : memref<576x576xi32, #tpu.memory_space<vmem>>, vector<576x576xi32>
      tpu.vector_store %arg9[%swap3A_65, %swap3A_66], %select_n3A_64 {strides = array<i32>} : memref<576x576xi32, #tpu.memory_space<vmem>>, vector<576x576xi32>,
    } else {
    }
    %get3A = arith.constant 0 : index
    %get3A_2 = arith.constant 0 : index
    %get3A_3 = arith.constant 0 : index
    %get3A_4 = vector.load %arg1[%get3A, %get3A_2, %get3A_3] : memref<1x1x576xf32, #tpu.memory_space<vmem>>, vector<1x1x576xf32>
    %get3A_5 = vector.shape_cast %get3A_4 : vector<1x1x576xf32> to vector<1x576xf32>
    %bitcast_convert_type3A = tpu.bitcast %get3A_5 : vector<1x576xf32> -> vector<1x576xi32>
    %get3A_6 = arith.constant 0 : index
    %get3A_7 = arith.constant 0 : index
    %get3A_8 = arith.constant 0 : index
    %get3A_9 = vector.load %arg2[%get3A_6, %get3A_7, %get3A_8] : memref<1x576x1xf32, #tpu.memory_space<vmem>>, vector<1x576x1xf32>
    %get3A_10 = vector.shape_cast %get3A_9 : vector<1x576x1xf32> to vector<576x1xf32>
    %bitcast_convert_type3A_11 = tpu.bitcast %get3A_10 : vector<576x1xf32> -> vector<576x1xi32>
    %broadcast_in_dim3A = vector.shape_cast %bitcast_convert_type3A : vector<1x576xi32> to vector<1x576xi32>
    %broadcast_in_dim3A_12 = vector.broadcast %broadcast_in_dim3A : vector<1x576xi32> to vector<576x576xi32>
    %broadcast_in_dim3A_13 = vector.shape_cast %bitcast_convert_type3A_11 : vector<576x1xi32> to vector<576x1xi32>
    %broadcast_in_dim3A_14 = vector.broadcast %broadcast_in_dim3A_13 : vector<576x1xi32> to vector<576x576xi32>
    %get3A_15 = arith.constant 0 : index
    %get3A_16 = arith.constant 0 : index
    %get3A_17 = vector.load %arg9[%get3A_15, %get3A_16] : memref<576x576xi32, #tpu.memory_space<vmem>>, vector<576x576xi32>
    %add3A = arith.addi %broadcast_in_dim3A_12, %get3A_17 : vector<576x576xi32>
    %lt3A = arith.cmpi slt, %broadcast_in_dim3A_14, %add3A : vector<576x576xi32>
    %jit3A = arith.constant 1 : i32
    %jit3A_18 = arith.constant 0 : i32
    %broadcast_in_dim3A_19 = vector.broadcast %jit3A : i32 to vector<576x576xi32>
    %broadcast_in_dim3A_20 = vector.broadcast %jit3A_18 : i32 to vector<576x576xi32>
    %select_n3A = arith.select %lt3A, %broadcast_in_dim3A_19, %broadcast_in_dim3A_20 : vector<576x576xi1>, vector<576x576xi32>
    %reduce_sum3A = arith.constant dense<0> : vector<576xi32>
    %reduce_sum3A_21 = vector.multi_reduction <add>, %select_n3A, %reduce_sum3A [0] : vector<576x576xi32> to vector<576xi32>
    %broadcast_in_dim3A_22 = vector.shape_cast %reduce_sum3A_21 : vector<576xi32> to vector<1x576xi32>
    %iota3A = tpu.iota {dimensions = array<i32: 0>} : vector<576x576xi32>
    %iota3A_23 = tpu.iota {dimensions = array<i32: 1>} : vector<576x576xi32>
    %broadcast_in_dim3A_24 = vector.shape_cast %broadcast_in_dim3A_22 : vector<1x576xi32> to vector<1x576xi32>
    %broadcast_in_dim3A_25 = vector.broadcast %broadcast_in_dim3A_24 : vector<1x576xi32> to vector<576x576xi32>
    %eq3A_26 = arith.cmpi eq, %broadcast_in_dim3A_25, %iota3A : vector<576x576xi32>
    %jit3A_27 = arith.constant 0 : i32
    %broadcast_in_dim3A_28 = vector.broadcast %jit3A_27 : i32 to vector<576x576xi32>
    %select_n3A_29 = arith.select %eq3A_26, %iota3A_23, %broadcast_in_dim3A_28 : vector<576x576xi1>, vector<576x576xi32>
    %reduce_sum3A_30 = arith.constant dense<0> : vector<576xi32>
    %reduce_sum3A_31 = vector.multi_reduction <add>, %select_n3A_29, %reduce_sum3A_30 [1] : vector<576x576xi32> to vector<576xi32>
    %broadcast_in_dim3A_32 = vector.shape_cast %reduce_sum3A_31 : vector<576xi32> to vector<576x1xi32>
    %swap3A = arith.constant 0 : index
    %swap3A_33 = arith.constant 0 : index
    %swap3A_34 = arith.constant 0 : index
    %swap3A_35 = vector.load %arg7[%swap3A, %swap3A_33, %swap3A_34] : memref<1x576x1xi32, #tpu.memory_space<vmem>>, vector<1x576x1xi32>
    %swap3A_36 = vector.shape_cast %swap3A_35 : vector<1x576x1xi32> to vector<576x1xi32>
    %swap3A_37 = vector.shape_cast %broadcast_in_dim3A_32 : vector<576x1xi32> to vector<1x576x1xi32>
    tpu.vector_store %arg7[%swap3A, %swap3A_33, %swap3A_34], %swap3A_37 {strides = array<i32>} : memref<1x576x1xi32, #tpu.memory_space<vmem>>, vector<1x576x1xi32>,
    return
  }
  func.func @transform_0(%arg0: i32) -> (i32, i32, i32) {
    %c0_i32 = arith.constant 0 : i32
    %c0_i32_0 = arith.constant 0 : i32
    %c0_i32_1 = arith.constant 0 : i32
    return %arg0, %c0_i32, %c0_i32_0 : i32, i32, i32
  }
  func.func @transform_1(%arg0: i32) -> (i32, i32, i32) {
    %c0_i32 = arith.constant 0 : i32
    %c0_i32_0 = arith.constant 0 : i32
    %c0_i32_1 = arith.constant 0 : i32
    return %arg0, %c0_i32, %c0_i32_0 : i32, i32, i32
  }
  func.func @transform_2(%arg0: i32) -> (i32, i32) {
    %c0_i32 = arith.constant 0 : i32
    %c0_i32_0 = arith.constant 0 : i32
    %c0_i32_1 = arith.constant 0 : i32
    return %c0_i32, %c0_i32_0 : i32, i32
  }
  func.func @transform_3(%arg0: i32) -> (i32, i32) {
    %c0_i32 = arith.constant 0 : i32
    %c0_i32_0 = arith.constant 0 : i32
    %c0_i32_1 = arith.constant 0 : i32
    return %c0_i32, %c0_i32_0 : i32, i32
  }
  func.func @transform_4(%arg0: i32) -> (i32, i32) {
    %c0_i32 = arith.constant 0 : i32
    %c0_i32_0 = arith.constant 0 : i32
    %c0_i32_1 = arith.constant 0 : i32
    return %c0_i32, %c0_i32_0 : i32, i32
  }
  func.func @transform_5(%arg0: i32) -> (i32, i32) {
    %c0_i32 = arith.constant 0 : i32
    %c0_i32_0 = arith.constant 0 : i32
    %c0_i32_1 = arith.constant 0 : i32
    return %c0_i32, %c0_i32_0 : i32, i32
  }
  func.func @transform_6(%arg0: i32) -> (i32, i32, i32) {
    %c0_i32 = arith.constant 0 : i32
    %c0_i32_0 = arith.constant 0 : i32
    %c0_i32_1 = arith.constant 0 : i32
    return %arg0, %c0_i32, %c0_i32_0 : i32, i32, i32
  }
  func.func @transform_7(%arg0: i32) -> (i32, i32) {
    %c0_i32 = arith.constant 0 : i32
    %c0_i32_0 = arith.constant 0 : i32
    %c0_i32_1 = arith.constant 0 : i32
    return %c0_i32, %c0_i32_0 : i32, i32
  }
}

module attributes {stable_mosaic.version = 14 : i64} {
  func.func @_proj_body(%arg0: i32, %arg1: memref<1x576x1xi32, #tpu.memory_space<vmem>>, %arg2: memref<1x576x768xf32, #tpu.memory_space<vmem>>, %arg3: memref<768x768xf32, #tpu.memory_space<vmem>>, %arg4: memref<1x768xf32, #tpu.memory_space<vmem>>, %arg5: memref<576x768xf32, #tpu.memory_space<vmem>>, %arg6: memref<1x144x768xf32, #tpu.memory_space<vmem>>, %arg7: memref<1x144x768xf32, #tpu.memory_space<vmem>>) attributes {dimension_semantics = [#tpu.dimension_semantics<arbitrary>], iteration_bounds = array<i64: 64>, scalar_prefetch = 0 : i64, scratch_operands = 0 : i64, tpu.core_type = #tpu.core_type<tc>, window_params = [{transform_indices = @transform_0, window_bounds = array<i64: 1, 576, 1>}, {transform_indices = @transform_1, window_bounds = array<i64: 1, 576, 768>}, {pipeline_mode = #tpu.pipeline_mode<synchronous>, transform_indices = @transform_2, window_bounds = array<i64: 768, 768>}, {pipeline_mode = #tpu.pipeline_mode<synchronous>, transform_indices = @transform_3, window_bounds = array<i64: 1, 768>}, {pipeline_mode = #tpu.pipeline_mode<synchronous>, transform_indices = @transform_4, window_bounds = array<i64: 576, 768>}, {transform_indices = @transform_5, window_bounds = array<i64: 1, 144, 768>}, {transform_indices = @transform_6, window_bounds = array<i64: 1, 144, 768>}]} {
    %get3A = arith.constant 0 : index
    %get3A_0 = arith.constant 0 : index
    %get3A_1 = arith.constant 0 : index
    %get3A_2 = vector.load %arg1[%get3A, %get3A_0, %get3A_1] : memref<1x576x1xi32, #tpu.memory_space<vmem>>, vector<1x576x1xi32>
    %get3A_3 = vector.shape_cast %get3A_2 : vector<1x576x1xi32> to vector<576x1xi32>
    %slice3A = vector.extract_strided_slice %get3A_3 {offsets = [432, 0], sizes = [144, 1], strides = [1, 1]} : vector<576x1xi32> to vector<144x1xi32>
    %iota3A = tpu.iota {dimensions = array<i32: 1>} : vector<144x576xi32>
    %broadcast_in_dim3A = vector.shape_cast %slice3A : vector<144x1xi32> to vector<144x1xi32>
    %broadcast_in_dim3A_4 = vector.broadcast %broadcast_in_dim3A : vector<144x1xi32> to vector<144x576xi32>
    %eq3A = arith.cmpi eq, %broadcast_in_dim3A_4, %iota3A : vector<144x576xi32>
    %jit3A = arith.constant 1.000000e+00 : f32
    %jit3A_5 = arith.constant 0.000000e+00 : f32
    %broadcast_in_dim3A_6 = vector.broadcast %jit3A : f32 to vector<144x576xf32>
    %broadcast_in_dim3A_7 = vector.broadcast %jit3A_5 : f32 to vector<144x576xf32>
    %select_n3A = arith.select %eq3A, %broadcast_in_dim3A_6, %broadcast_in_dim3A_7 : vector<144x576xi1>, vector<144x576xf32>
    %get3A_8 = arith.constant 0 : index
    %get3A_9 = arith.constant 0 : index
    %get3A_10 = vector.load %arg5[%get3A_8, %get3A_9] : memref<576x768xf32, #tpu.memory_space<vmem>>, vector<576x768xf32>
    %dot_general3A = arith.constant dense<0.000000e+00> : vector<144x768xf32>
    %dot_general3A_11 = tpu.matmul %select_n3A, %get3A_10, %dot_general3A {dimension_numbers = #tpu.dot_dimension_numbers<[1], [0], [0], [1], [0, 0, 1, 1], [], []>, transpose_lhs_hint = false} : vector<144x576xf32>, vector<576x768xf32>, vector<144x768xf32> -> vector<144x768xf32>
    %get3A_12 = arith.constant 0 : index
    %get3A_13 = arith.constant 0 : index
    %get3A_14 = arith.constant 0 : index
    %get3A_15 = vector.load %arg2[%get3A_12, %get3A_13, %get3A_14] : memref<1x576x768xf32, #tpu.memory_space<vmem>>, vector<1x576x768xf32>
    %get3A_16 = vector.shape_cast %get3A_15 : vector<1x576x768xf32> to vector<576x768xf32>
    %dot_general3A_17 = arith.constant dense<0.000000e+00> : vector<144x768xf32>
    %dot_general3A_18 = tpu.matmul %select_n3A, %get3A_16, %dot_general3A_17 {dimension_numbers = #tpu.dot_dimension_numbers<[1], [0], [0], [1], [0, 0, 1, 1], [], []>, transpose_lhs_hint = false} : vector<144x576xf32>, vector<576x768xf32>, vector<144x768xf32> -> vector<144x768xf32>
    %get3A_19 = arith.constant 0 : index
    %get3A_20 = arith.constant 0 : index
    %get3A_21 = vector.load %arg3[%get3A_19, %get3A_20] : memref<768x768xf32, #tpu.memory_space<vmem>>, vector<768x768xf32>
    %dot_general3A_22 = arith.constant dense<0.000000e+00> : vector<144x768xf32>
    %dot_general3A_23 = tpu.matmul %dot_general3A_18, %get3A_21, %dot_general3A_22 {dimension_numbers = #tpu.dot_dimension_numbers<[1], [0], [0], [1], [0, 0, 1, 1], [], []>, transpose_lhs_hint = false} : vector<144x768xf32>, vector<768x768xf32>, vector<144x768xf32> -> vector<144x768xf32>
    %get3A_24 = arith.constant 0 : index
    %get3A_25 = arith.constant 0 : index
    %get3A_26 = vector.load %arg4[%get3A_24, %get3A_25] : memref<1x768xf32, #tpu.memory_space<vmem>>, vector<1x768xf32>
    %add3A = vector.broadcast %get3A_26 : vector<1x768xf32> to vector<144x768xf32>
    %add3A_27 = arith.addf %dot_general3A_23, %add3A : vector<144x768xf32>
    %add3A_28 = arith.addf %add3A_27, %dot_general3A_11 : vector<144x768xf32>
    %swap3A = arith.constant 0 : index
    %swap3A_29 = arith.constant 0 : index
    %swap3A_30 = arith.constant 0 : index
    %swap3A_31 = vector.load %arg6[%swap3A, %swap3A_29, %swap3A_30] : memref<1x144x768xf32, #tpu.memory_space<vmem>>, vector<1x144x768xf32>
    %swap3A_32 = vector.shape_cast %swap3A_31 : vector<1x144x768xf32> to vector<144x768xf32>
    %swap3A_33 = vector.shape_cast %add3A_28 : vector<144x768xf32> to vector<1x144x768xf32>
    tpu.vector_store %arg6[%swap3A, %swap3A_29, %swap3A_30], %swap3A_33 {strides = array<i32>} : memref<1x144x768xf32, #tpu.memory_space<vmem>>, vector<1x144x768xf32>,
    %swap3A_34 = arith.constant 0 : index
    %swap3A_35 = arith.constant 0 : index
    %swap3A_36 = arith.constant 0 : index
    %swap3A_37 = vector.load %arg7[%swap3A_34, %swap3A_35, %swap3A_36] : memref<1x144x768xf32, #tpu.memory_space<vmem>>, vector<1x144x768xf32>
    %swap3A_38 = vector.shape_cast %swap3A_37 : vector<1x144x768xf32> to vector<144x768xf32>
    %swap3A_39 = vector.shape_cast %dot_general3A_11 : vector<144x768xf32> to vector<1x144x768xf32>
    tpu.vector_store %arg7[%swap3A_34, %swap3A_35, %swap3A_36], %swap3A_39 {strides = array<i32>} : memref<1x144x768xf32, #tpu.memory_space<vmem>>, vector<1x144x768xf32>,
    return
  }
  func.func @transform_0(%arg0: i32) -> (i32, i32, i32) {
    %c0_i32 = arith.constant 0 : i32
    %c0_i32_0 = arith.constant 0 : i32
    %c0_i32_1 = arith.constant 0 : i32
    return %arg0, %c0_i32, %c0_i32_0 : i32, i32, i32
  }
  func.func @transform_1(%arg0: i32) -> (i32, i32, i32) {
    %c0_i32 = arith.constant 0 : i32
    %c0_i32_0 = arith.constant 0 : i32
    %c0_i32_1 = arith.constant 0 : i32
    return %arg0, %c0_i32, %c0_i32_0 : i32, i32, i32
  }
  func.func @transform_2(%arg0: i32) -> (i32, i32) {
    %c0_i32 = arith.constant 0 : i32
    %c0_i32_0 = arith.constant 0 : i32
    %c0_i32_1 = arith.constant 0 : i32
    return %c0_i32, %c0_i32_0 : i32, i32
  }
  func.func @transform_3(%arg0: i32) -> (i32, i32) {
    %c0_i32 = arith.constant 0 : i32
    %c0_i32_0 = arith.constant 0 : i32
    %c0_i32_1 = arith.constant 0 : i32
    return %c0_i32, %c0_i32_0 : i32, i32
  }
  func.func @transform_4(%arg0: i32) -> (i32, i32) {
    %c0_i32 = arith.constant 0 : i32
    %c0_i32_0 = arith.constant 0 : i32
    %c0_i32_1 = arith.constant 0 : i32
    return %c0_i32, %c0_i32_0 : i32, i32
  }
  func.func @transform_5(%arg0: i32) -> (i32, i32, i32) {
    %c0_i32 = arith.constant 0 : i32
    %c0_i32_0 = arith.constant 0 : i32
    %c0_i32_1 = arith.constant 0 : i32
    return %arg0, %c0_i32, %c0_i32_0 : i32, i32, i32
  }
  func.func @transform_6(%arg0: i32) -> (i32, i32, i32) {
    %c0_i32 = arith.constant 0 : i32
    %c0_i32_0 = arith.constant 0 : i32
    %c0_i32_1 = arith.constant 0 : i32
    return %arg0, %c0_i32, %c0_i32_0 : i32, i32, i32
  }
}

</mosaic_0001>

<sc_bundles>
// kernel: kernel.5.cloned.1.call-start
scs
__scs_entry_jumppad:
0x0: {  	(pc) =	sbr.rel $0x88, $3  }
0x1: {  	(tag) =	ssettag $0x0;
	lr =	simm.s32 $0x1  }
0x2: {  	[smem:$0x3F9B] =	sst lr;
	_ =	strace $0xD0000000  }
0x3: {  	_ = 	snop  }
0x4: {  	_ = 	snop  }
0x5: {  	_ = 	snop  }
0x6: {  	_ = 	snop  }
0x7: {  	_ = 	snop  }
__scs_overlays_trampoline_lowered:
0x8: {  	[smem:$0x3FAA] =	sst s0  }
0x9: {  	[smem:$0x3FAB] =	sst s1  }
0xa: {  	[smem:$0x3FAC] =	sst s2  }
0xb: {  	[smem:$0x3FAD] =	sst s3  }
0xc: {  	[smem:$0x3FAE] =	sst s4  }
0xd: {  	[smem:$0x3FAF] =	sst s5  }
0xe: {  	[smem:$0x3FB0] =	sst s6  }
0xf: {  	[smem:$0x3FB1] =	sst s7  }
0x10: {  	[smem:$0x3FB2] =	sst s8  }
0x11: {  	[smem:$0x3FB3] =	sst s9;
	s0 =	simm.s32 @!p0 $0x0  }
0x12: {  	s1 =	sld [smem:$0x3F99];
	s0 =	simm.s32 @p0 $0x1  }
0x13: {  	[smem:$0x3FB4] =	sst s0;
	s0 =	simm.s32 @!p1 $0x0  }
0x14: {  	s2 =	sld [smem:$0x3F98];
	s0 =	simm.s32 @p1 $0x1  }
0x15: {  	[smem:$0x3FB5] =	sst s0;
	s0 =	simm.s32 @!p2 $0x0  }
0x16: {  	s3 =	sld [smem:$0x3FDB];
	s0 =	simm.s32 @p2 $0x1  }
0x17: {  	s4 =	simm.s32 $0x1BF5;
	[smem:$0x3FB7] =	sst s0  }
0x18: {  	s0 =	sld [smem:$0x3F9A];
	_ =	swait.ge [sflag:s4], $0x0  }
0x19: {  	s7 =	sld [smem:$0x3F9B]  }
0x1a: {  	s8 =	sadd.s32 $0xFFFFE003, lr  }
0x1b: {  	s9 =	sadd.s32 $0xFFFFFEF7, lr;
	s5 =	simm.s32 $0xFFFFFFFF;
	p2 =	slt.u32 s8, $0xFFFFF086  }
0x1c: {  	p1 =	slt.u32 s9, $0xF7A;
	s5 =	simm.s32 @!p2 $0x0  }
0x1d: {  	s5 =	simm.s32 @p1 $0x1;
	p0 =	seq.s32 s7, s2  }
0x1e: {  	s7 =	smul.u32 @!p0 $0xF7A, s2;
	p2 =	seq.s32 @!p0 s5, $0x0  }
0x1f: {  	s9 =	smul.u32 $0xF7A, s1;
	s8 =	simm.s32 @!p0 $0x1BF5;
	p2 =	por !p2, p0  }
0x20: {  	[sflag:s8] =	ssyncset.s32 @!p0 $0xFFFFF086;
	s6 =	sadd.s32 @!p0 s3, s7;
	s7 =	simm.s32 @!p0 $0x108  }
0x21: {  	s3 =	sadd.s32 s3, s9;
	s6 =	sadd.s32 @!p0 $0x88, s6;
	s7 =	simm.s32 @p2 $0x1082  }
0x22: {  	[simem:s7], [sflag:s8] =	dma.local @!p0 [hbm:s6], $0xF7A  }
0x23: {  	s9 =	sor.u32 $0xD0000000, s2;
	s6 =	simm.s32 $0x108;
	_ =	swait.ge @!p0 [sflag:s8], $0x0  }
0x24: {  	s3 =	sadd.s32 $0x88, s3;
	s6 =	simm.s32 @!p1 $0x1082;
	[sflag:s4] =	ssyncset.s32 $0xFFFFF086  }
0x25: {  	[simem:s6], [sflag:s4] =	dma.local [hbm:s3], $0xF7A  }
0x26: {  	[smem:$0x3F9B] =	sst s1;
	(tag) =	ssettag s2;
	_ =	strace s9  }
0x27: {  	s1 =	sld [smem:$0x3FAB]  }
0x28: {  	s2 =	sld [smem:$0x3FAC]  }
0x29: {  	s4 =	sld [smem:$0x3FAE]  }
0x2a: {  	p0 =	seq.s32 s5, $0x0;
	s5 =	sld [smem:$0x3FAF]  }
0x2b: {  	s6 =	sld [smem:$0x3FB0]  }
0x2c: {  	s7 =	sld [smem:$0x3FB1]  }
0x2d: {  	s3 =	simm.s32 $0x108;
	s8 =	sld [smem:$0x3FB2]  }
0x2e: {  	s3 =	simm.s32 @!p0 $0x1082;
	s9 =	sld [smem:$0x3FB3]  }
0x2f: {  	lr =	sadd.s32 s0, s3;
	s0 =	sld [smem:$0x3FAA]  }
0x30: {  	s3 =	sld [smem:$0x3FAD]  }
0x31: {  	[smem:$0x3FB6] =	sst s10  }
0x32: {  	s10 =	sld [smem:$0x3FB4];
	_ =	sdelay $0x3  }
0x33: {  	p0 =	seq.s32 s10, $0x1;
	s10 =	sld [smem:$0x3FB6];
	_ =	sdelay $0x3  }
0x34: {  	[smem:$0x3FB6] =	sst s10  }
0x35: {  	s10 =	sld [smem:$0x3FB5];
	_ =	sdelay $0x3  }
0x36: {  	p1 =	seq.s32 s10, $0x1;
	s10 =	sld [smem:$0x3FB6];
	_ =	sdelay $0x3  }
0x37: {  	[smem:$0x3FB6] =	sst s10  }
0x38: {  	s10 =	sld [smem:$0x3FB7]  }
0x39: {  	_ = 	snop;
	(pc) =	sbr.ind lr, $3  }
0x3a: {  	_ = 	snop  }
0x3b: {  	_ = 	snop  }
0x3c: {  	p2 =	seq.s32 s10, $0x1;
	s10 =	sld [smem:$0x3FB6]  }
0x3d: {  	_ =	shalt  }
0x3e: {  	_ =	shalt  }
0x3f: {  	_ =	shalt  }
0x40: {  	_ =	shalt  }
0x41: {  	_ =	shalt  }
0x42: {  	_ =	shalt  }
0x43: {  	_ =	shalt  }
0x44: {  	_ =	shalt  }
0x45: {  	_ =	shalt  }
0x46: {  	_ =	shalt  }
0x47: {  	_ =	shalt  }
0x48: {  	_ =	shalt  }
0x49: {  	_ =	shalt  }
0x4a: {  	_ =	shalt  }
0x4b: {  	_ =	shalt  }
0x4c: {  	_ =	shalt  }
0x4d: {  	_ =	shalt  }
0x4e: {  	_ =	shalt  }
0x4f: {  	_ =	shalt  }
0x50: {  	_ =	shalt  }
0x51: {  	_ =	shalt  }
0x52: {  	_ =	shalt  }
0x53: {  	_ =	shalt  }
0x54: {  	_ =	shalt  }
0x55: {  	_ =	shalt  }
0x56: {  	_ =	shalt  }
0x57: {  	_ =	shalt  }
0x58: {  	_ =	shalt  }
0x59: {  	_ =	shalt  }
0x5a: {  	_ =	shalt  }
0x5b: {  	_ =	shalt  }
0x5c: {  	_ =	shalt  }
0x5d: {  	_ =	shalt  }
0x5e: {  	_ =	shalt  }
0x5f: {  	_ =	shalt  }
0x60: {  	_ =	shalt  }
0x61: {  	_ =	shalt  }
0x62: {  	_ =	shalt  }
0x63: {  	_ =	shalt  }
0x64: {  	_ =	shalt  }
0x65: {  	_ =	shalt  }
0x66: {  	_ =	shalt  }
0x67: {  	_ =	shalt  }
0x68: {  	_ =	shalt  }
0x69: {  	_ =	shalt  }
0x6a: {  	_ =	shalt  }
0x6b: {  	_ =	shalt  }
0x6c: {  	_ =	shalt  }
0x6d: {  	_ =	shalt  }
0x6e: {  	_ =	shalt  }
0x6f: {  	_ =	shalt  }
0x70: {  	_ =	shalt  }
0x71: {  	_ =	shalt  }
0x72: {  	_ =	shalt  }
0x73: {  	_ =	shalt  }
0x74: {  	_ =	shalt  }
0x75: {  	_ =	shalt  }
0x76: {  	_ =	shalt  }
0x77: {  	_ =	shalt  }
0x78: {  	_ =	shalt  }
0x79: {  	_ =	shalt  }
0x7a: {  	_ =	shalt  }
0x7b: {  	_ =	shalt  }
0x7c: {  	_ =	shalt  }
0x7d: {  	_ =	shalt  }
0x7e: {  	_ =	shalt  }
0x7f: {  	_ =	shalt  }
0x80: {  	_ =	shalt  }
0x81: {  	_ =	shalt  }
0x82: {  	_ =	shalt  }
0x83: {  	_ =	shalt  }
0x84: {  	_ =	shalt  }
0x85: {  	_ =	shalt  }
0x86: {  	_ =	shalt  }
0x87: {  	_ =	shalt  }
.Lfunc_end0:
.L_simem_size_0:
called_computation_lowered:
.L_overlay_start_0:
0x88: {  	s2 =	sld [smem:$0x3FD9]  }
0x89: {  	s3 =	sld [smem:$0x3FFE];
	_ =	sdelay $0x1  }
0x8a: {  	s1 =	srdreg.scid  }
0x8b: {  	s0 =	sand.u32 $0x1, s1  }
0x8c: {  	s14 =	sshll.u32 s0, $0xA;
	s2 =	sadd.s32 s3, s2  }
0x8d: {  	s2 =	sadd.s32 s2, s14  }
0x8e: {  	[smem:$0x3FC2] =	sst s2  }
0x8f: {  	_ = 	snop  }
0x90: {  	s2 =	sld [smem:$0x3FD0];
	_ =	sdelay $0x2  }
0x91: {  	s15 =	simm.s32 $0xA;
	s4 =	simm.s32 $0x10  }
0x92: {  	[smem:s4], [sflag:s15] =	dma.local [hbm:s2], $0x1  }
0x93: {  	_ =	swait.eq [sflag:s15], $0x1  }
0x94: {  	[sflag:s15] =	ssyncset.done $0x0  }
0x95: {  	[sflag:s15] =	ssyncadd.s32 $0xFFFFFFFF  }
0x96: {  	s16 =	sld [smem:$0x11];
	(tm) =	ssettm $0x1  }
0x97: {  	s17 =	sld [smem:$0x3FFB];
	_ =	sdelay $0x3  }
0x98: {  	_ =	strace s17  }
0x99: {  	s3 =	sld [smem:$0x3FFC];
	_ =	sdelay $0x3  }
0x9a: {  	_ =	strace s3  }
0x9b: {  	s3 =	sld [smem:$0x3FFD];
	_ =	sdelay $0x3  }
0x9c: {  	_ =	strace s3  }
0x9d: {  	_ =	strace $0x8FFFFFFF  }
0x9e: {  	s18 =	sld [smem:$0x3FDB];
	_ =	sdelay $0x1  }
0x9f: {  	s19 =	simm.s32 $_scs_section_size  }
0xa0: {  	s5 =	simm.s32 $_size__tile_overlayer_lowered;
	s6 =	simm.s32 $_tile_overlayer_lowered  }
0xa1: {  	s22 =	simm.s32 $0x1BFF;
	s21 =	sshll.u32 s6, $0x1;
	s3 =	sadd.s32 s19, s18  }
0xa2: {  	s7 =	simm.s32 $0x0;
	s20 =	sshll.u32 s5, $0x1;
	s5 =	sadd.s32 s21, s3  }
0xa3: {  	[timem:s7], [sflag:s22] =	dma.local [hbm:s5], s20  }
0xa4: {  	_ =	swait.ge [sflag:s22], s20  }
0xa5: {  	s4 =	ssub.s32 $0x0, s20;
	[sflag:s22] =	ssyncset.done $0x0  }
0xa6: {  	[sflag:s22] =	ssyncadd.s32 s4;
	_ =	sdelay $0x1  }
0xa7: {  	s23 =	simm.s32 $0x1B8B  }
0xa8: {  	_ =	swait.ge [sflag:s23], $0x1  }
0xa9: {  	[sflag:s23] =	ssyncset.done $0x0  }
0xaa: {  	s25 =	simm.s32 $0x1B8E;
	s24 =	sld [smem:$0x3FFE];
	[sflag:s23] =	ssyncadd.s32 $0xFFFFFFFF  }
0xab: {  	s26 =	simm.s32 $execute0_lowered;
	[smem:$0x3FD2] =	sst s25  }
0xac: {  	s5 =	sshll.u32 s26, $0x1;
	_ =	strace $0x80000046;
	[dreg:$0x1] =	wrdreg $0xFFFFFFFF  }
0xad: {  	s28 =	simm.s32 $_size_execute0_lowered;
	s3 =	sadd.s32 s3, s5;
	[dreg:$0x0] =	wrdreg $0x0  }
0xae: {  	s5 =	sshll.u32 s28, $0x1;
	[dreg:$0x2] =	wrdreg s3  }
0xaf: {  	[dreg:$0x3] =	wrdreg s5  }
0xb0: {  	[dreg:$0x4] =	wrdreg $0xC0  }
0xb1: {  	_ =	task [dreg:s7], $0x5FFFF  }
0xb2: {  	[dreg:$0x1] =	wrdreg $0xFFFFFFFF  }
0xb3: {  	[dreg:$0x0] =	wrdreg $0x60  }
0xb4: {  	[dreg:$0x2] =	wrdreg s24  }
0xb5: {  	[dreg:$0x3] =	wrdreg s16  }
0xb6: {  	[dreg:$0x4] =	wrdreg $0x9  }
0xb7: {  	_ =	task.clear_ibuf [dreg:s7], $0x5FFFF;
	_ =	strace $0x90000046  }
0xb8: {  	s29 =	simm.s32 $0x9;
	_ =	strace $0x80000048  }
0xb9: {  	_ =	swait.ge [sflag:s29], $0x1  }
0xba: {  	[sflag:s29] =	ssyncadd.s32 $0xFFFFFFFF  }
0xbb: {  	_ =	strace $0x90000048  }
0xbc: {  	_ =	sfence  }
0xbd: {  	s30 =	sld [smem:$0x0];
	_ =	sdelay $0x2  }
0xbe: {  	s31 =	sshll.u32 s1, $0xD;
	s1 =	sshrl.u32 s1, $0x2  }
0xbf: {  	s3 =	sand.u32 $0x4000, s31;
	s1 =	sadd.s32 s1, s30  }
0xc0: {  	s0 =	sor.u32 s3, s0;
	s1 =	sshll.u32 s1, $0x11  }
0xc1: {  	s0 =	sor.u32 s1, s0  }
0xc2: {  	s0 =	sadd.s32 $0x8F2B, s0  }
0xc3: {  	[sflag:s0] =	ssyncadd.remote.s32 $0x1  }
0xc4: {  	_ =	sfence.sel $0xFFFF  }
0xc5: {  	[dreg:$0x0] =	wrdreg $0xFFFFFFFF;
	(pc) =	sbr.abs _section_cstart, $3  }
0xc6: {  	[dreg:$0x1] =	wrdreg $0xFFFFFFFF  }
0xc7: {  	_ =	task.clear_ibuf [dreg:s7], $0x2FFFF;
	_ =	strace $0x9FFFFFFF  }
0xc8: {  	(tm) =	ssettm $0x7FFFFFFF  }
0xc9: {  	_ =	shalt  }
tec
execute0_lowered:
.L_overlay_start_1:
0x0: {  	(tag) =	ssettag $0x1  }
0x1: {  	s0 =	srdreg.scid;
	s1 =	stileid.u32  }
0x2: {  	s4 =	sand.u32 $0x1, s0;
	s1 =	sshll.u32 s1, $0x1  }
0x3: {  	s2 =	simm.s32 $0x0;
	s0 =	rddreg [dreg:$0x0];
	s5 =	sor.u32 s4, s1  }
0x4: {  	[smem:$0x7FF] =	sst s2;
	s6 =	smul.u32 $0x360, s5  }
0x5: {  	s7 =	smul.u32 $0x480, s5;
	s5 =	sshllo.u32 s5, $0x1  }
0x6: {  	s1 =	rddreg [dreg:$0x1];
	s3 =	sadd.s32 $0x9E600, s0;
	s13 =	smul.u32 $0x1B0, s5  }
0x7: {  	_ =	strace $0x80000047;
	s4 =	ssub.s32 $0x2, s4;
	s5 =	smul.u32 $0x240, s5  }
0x8: {  	s8 =	sshrl.u32 s6, $0x3;
	s9 =	sadd.s32 $0x48, s6;
	s10 =	sshrl.u32 s7, $0x3  }
0x9: {  	s29 =	sadd.s32 $0xD8, s6;
	s30 =	sadd.s32 $0xD8, s7;
	s6 =	sadd.s32 $0x168, s6  }
0xa: {  	s7 =	sadd.s32 $0x168, s7;
	s8 =	smul.u32 $0x300, s8;
	s9 =	sshrl.u32 s9, $0x3  }
0xb: {  	s11 =	sadd.s32 s3, s10;
	s6 =	sshrl.u32 s6, $0x3;
	s7 =	sshrl.u32 s7, $0x3  }
0xc: {  	s14 =	sshrl.u32 s13, $0x3;
	s15 =	sadd.s32 $0x48, s13;
	s16 =	sadd.s32 $0x48, s5  }
0xd: {  	s17 =	sshrl.u32 s5, $0x3;
	s10 =	sadd.s32 $0x9, s11;
	[dreg:$0x17] =	wrdreg s11  }
0xe: {  	s22 =	sadd.s32 $0xD8, s13;
	s28 =	sadd.s32 $0x12, s11;
	[dreg:$0x3] =	wrdreg s10  }
0xf: {  	s23 =	sadd.s32 $0xD8, s5;
	s11 =	sadd.s32 $0x24, s11;
	[dreg:$0x5] =	wrdreg s28  }
0x10: {  	s5 =	sadd.s32 $0x168, s5;
	s7 =	sadd.s32 s3, s7;
	[dreg:$0x9] =	wrdreg s11  }
0x11: {  	s9 =	smul.u32 $0x300, s9;
	s12 =	sadd.s32 s1, s8;
	[dreg:$0xb] =	wrdreg s7  }
0x12: {  	s6 =	smul.u32 $0x300, s6;
	s11 =	sadd.s32 s3, s17;
	[dreg:$0x18] =	wrdreg s12  }
0x13: {  	s5 =	sshrl.u32 s5, $0x3;
	s26 =	sadd.s32 s1, s9;
	[dreg:$0x19] =	wrdreg s11  }
0x14: {  	s8 =	sshrl.u32 s30, $0x3;
	s31 =	sadd.s32 $0x3600, s12;
	[dreg:$0x4] =	wrdreg s26  }
0x15: {  	s7 =	smul.u32 $0x300, s14;
	s8 =	sadd.s32 s3, s8;
	[dreg:$0x6] =	wrdreg s31  }
0x16: {  	s9 =	sshrl.u32 s29, $0x3;
	s12 =	sadd.s32 $0x6C00, s12;
	[dreg:$0x7] =	wrdreg s8  }
0x17: {  	s6 =	sadd.s32 s1, s6;
	s21 =	sadd.s32 $0x12, s11;
	[dreg:$0xa] =	wrdreg s12  }
0x18: {  	s28 =	sadd.s32 $0x24, s11;
	s11 =	simm.s32 $0x4;
	[dreg:$0xc] =	wrdreg s6  }
0x19: {  	s9 =	smul.u32 $0x300, s9;
	s19 =	sadd.s32 s1, s7;
	[dreg:$0xf] =	wrdreg s21  }
0x1a: {  	s7 =	sshrl.u32 s22, $0x3;
	s6 =	sshrl.u32 s23, $0x3;
	s8 =	sadd.s32 $0x168, s13  }
0x1b: {  	[dreg:$0x13] =	wrdreg s28;
	s31 =	sshrl.u32 s4, $0x1;
	s22 =	simm.s32 $0x2  }
0x1c: {  	s23 =	simm.s32 $0x3;
	s24 =	sadd.s32 $0x3600, s19;
	s25 =	smul.u32 $0x300, s7  }
0x1d: {  	s7 =	sadd.s32 $0x90E00, s0;
	s6 =	sadd.s32 s3, s6;
	[dreg:$0x1a] =	wrdreg s19  }
0x1e: {  	s29 =	sshrl.u32 s8, $0x3;
	s30 =	sadd.s32 $0x6C00, s19;
	[dreg:$0x10] =	wrdreg s24  }
0x1f: {  	s4 =	ssub.s32 s4, s31;
	s8 =	sadd.s32 $0x90F00, s0;
	[dreg:$0x11] =	wrdreg s6  }
0x20: {  	s10 =	sadd.s32 s1, s9;
	s9 =	sshrl.u32 s15, $0x3;
	[dreg:$0x14] =	wrdreg s30  }
0x21: {  	[dreg:$0x8] =	wrdreg s10;
	s10 =	sshrl.u32 s16, $0x3;
	s26 =	sadd.s32 s1, s25  }
0x22: {  	s9 =	smul.u32 $0x300, s9;
	s18 =	sadd.s32 s3, s10;
	[dreg:$0x12] =	wrdreg s26  }
0x23: {  	s6 =	smul.u32 $0x300, s29;
	s3 =	sadd.s32 s3, s5;
	[dreg:$0xd] =	wrdreg s18  }
0x24: {  	v2 =	vlaneseq.u32;
	s15 =	simm.s32 $0x1;
	s20 =	sadd.s32 s1, s9;
	[dreg:$0x15] =	wrdreg s3  }
0x25: {  	vm0 =	vmmov $0xffff;
	v1 =	vshrl.u32 v2, $0x3;
	s10 =	simm.s32 $0xD900;
	s1 =	sadd.s32 s1, s6;
	[dreg:$0xe] =	wrdreg s20  }
0x26: {  	v0 =	vand.u32 $0x7, v2;
	v2 =	vor.u32 $0x8, v2;
	v1 =	vmul.u32 $0x8, v1;
	s9 =	sadd.s32 $0x91000, s0;
	s0 =	smax.u32 s4, $0x1;
	[dreg:$0x16] =	wrdreg s1  }
.LBB2_1:
0x27: {  	[dreg:$0x1b] =	wrdreg s0  }
0x28: {  	s24 =	rddreg [dreg:$0x17]  }
0x29: {  	[tilespmem:s2], [sflag:$0x4] =	stream.linear.gather [hbm4b:s24+s2], $0x48, $0x38;
	[tilespmem:$0x1B100] =	vst v63  }
0x2a: {  	_ =	swait.ge [sflag:s11], $0x48  }
0x2b: {  	[sflag:s11] =	ssyncset.done $0x0  }
0x2c: {  	[sflag:s11] =	ssyncadd.s32 $0xFFFFFFB8  }
0x2d: {  	v3 =	vld [tilespmem:$0x0];
	_ =	sdelay $0x4  }
0x2e: {  	v4 =	vshrl.u32 v3, $0x3  }
0x2f: {  	v4 =	vmul.u32 $0x30, v4  }
0x30: {  	v3 =	vand.u32 $0x7, v3  }
0x31: {  	v3 =	vor.u32 v3, v4  }
0x32: {  	v4 =	vperm.xlane v3, v0;
	_ =	sdelay $0x1  }
0x33: {  	v4 =	vadd.s32 v1, v4;
	_ =	sdelay $0x3  }
0x34: {  	s17 =	simm.s32 $0x100;
	v3 =	vperm.xlane v3, v2  }
0x35: {  	[tilespmem:s17], [sflag:$0x1] =	stream.indirect_vreg.gather [hbm4b:s7+s2], $0x80, v4, vm0, $0xb8;
	[tilespmem:$0x1B100] =	vst v63  }
0x36: {  	s25 =	simm.s32 $0x900;
	v3 =	vadd.s32 v1, v3  }
0x37: {  	[tilespmem:s25], [sflag:$0x1] =	stream.indirect_vreg.gather [hbm4b:s8+s2], $0x80, v4, vm0, $0xb8;
	[tilespmem:$0x1B100] =	vst v63  }
0x38: {  	s26 =	simm.s32 $0x1100  }
0x39: {  	[tilespmem:s26], [sflag:$0x1] =	stream.indirect_vreg.gather [hbm4b:s9+s2], $0x80, v4, vm0, $0xb8;
	[tilespmem:$0x1B100] =	vst v63  }
0x3a: {  	s28 =	simm.s32 $0x1900  }
0x3b: {  	[tilespmem:s28], [sflag:$0x1] =	stream.indirect_vreg.gather [hbm4b:s7+s2], $0x80, v3, vm0, $0xb8;
	[tilespmem:$0x1B100] =	vst v63  }
0x3c: {  	s29 =	simm.s32 $0x2100  }
0x3d: {  	[tilespmem:s29], [sflag:$0x1] =	stream.indirect_vreg.gather [hbm4b:s8+s2], $0x80, v3, vm0, $0xb8;
	[tilespmem:$0x1B100] =	vst v63  }
0x3e: {  	s30 =	simm.s32 $0x2900  }
0x3f: {  	[tilespmem:s30], [sflag:$0x1] =	stream.indirect_vreg.gather [hbm4b:s9+s2], $0x80, v3, vm0, $0xb8;
	[tilespmem:$0x1B100] =	vst v63  }
0x40: {  	v3 =	vld [tilespmem:$0x10];
	_ =	sdelay $0x4  }
0x41: {  	v61 =	vshrl.u32 v3, $0x3  }
0x42: {  	v4 =	vmul.u32 $0x30, v61  }
0x43: {  	v3 =	vand.u32 $0x7, v3  }
0x44: {  	v3 =	vor.u32 v3, v4  }
0x45: {  	v4 =	vperm.xlane v3, v0;
	_ =	sdelay $0x1  }
0x46: {  	v4 =	vadd.s32 v1, v4;
	_ =	sdelay $0x3  }
0x47: {  	s31 =	simm.s32 $0x3100;
	v3 =	vperm.xlane v3, v2  }
0x48: {  	[tilespmem:s31], [sflag:$0x1] =	stream.indirect_vreg.gather [hbm4b:s7+s2], $0x80, v4, vm0, $0xb8;
	[tilespmem:$0x1B100] =	vst v63  }
0x49: {  	s1 =	simm.s32 $0x3900;
	v3 =	vadd.s32 v1, v3  }
0x4a: {  	[tilespmem:s1], [sflag:$0x1] =	stream.indirect_vreg.gather [hbm4b:s8+s2], $0x80, v4, vm0, $0xb8;
	[tilespmem:$0x1B100] =	vst v63  }
0x4b: {  	s3 =	simm.s32 $0x4100  }
0x4c: {  	[tilespmem:s3], [sflag:$0x1] =	stream.indirect_vreg.gather [hbm4b:s9+s2], $0x80, v4, vm0, $0xb8;
	[tilespmem:$0x1B100] =	vst v63  }
0x4d: {  	s4 =	simm.s32 $0x4900  }
0x4e: {  	[tilespmem:s4], [sflag:$0x1] =	stream.indirect_vreg.gather [hbm4b:s7+s2], $0x80, v3, vm0, $0xb8;
	[tilespmem:$0x1B100] =	vst v63  }
0x4f: {  	s12 =	simm.s32 $0x5100  }
0x50: {  	[tilespmem:s12], [sflag:$0x1] =	stream.indirect_vreg.gather [hbm4b:s8+s2], $0x80, v3, vm0, $0xb8;
	[tilespmem:$0x1B100] =	vst v63  }
0x51: {  	s13 =	simm.s32 $0x5900  }
0x52: {  	[tilespmem:s13], [sflag:$0x1] =	stream.indirect_vreg.gather [hbm4b:s9+s2], $0x80, v3, vm0, $0xb8;
	[tilespmem:$0x1B100] =	vst v63  }
0x53: {  	v3 =	vld [tilespmem:$0x20];
	_ =	sdelay $0x4  }
0x54: {  	v62 =	vshrl.u32 v3, $0x3  }
0x55: {  	v4 =	vmul.u32 $0x30, v62  }
0x56: {  	v3 =	vand.u32 $0x7, v3  }
0x57: {  	v3 =	vor.u32 v3, v4  }
0x58: {  	v4 =	vperm.xlane v3, v0;
	_ =	sdelay $0x1  }
0x59: {  	v4 =	vadd.s32 v1, v4;
	_ =	sdelay $0x3  }
0x5a: {  	s14 =	simm.s32 $0x6100;
	v3 =	vperm.xlane v3, v2  }
0x5b: {  	[tilespmem:s14], [sflag:$0x1] =	stream.indirect_vreg.gather [hbm4b:s7+s2], $0x80, v4, vm0, $0xb8;
	[tilespmem:$0x1B100] =	vst v63  }
0x5c: {  	s16 =	simm.s32 $0x6900;
	v3 =	vadd.s32 v1, v3  }
0x5d: {  	[tilespmem:s16], [sflag:$0x1] =	stream.indirect_vreg.gather [hbm4b:s8+s2], $0x80, v4, vm0, $0xb8;
	[tilespmem:$0x1B100] =	vst v63  }
0x5e: {  	s18 =	simm.s32 $0x7100  }
0x5f: {  	[tilespmem:s18], [sflag:$0x1] =	stream.indirect_vreg.gather [hbm4b:s9+s2], $0x80, v4, vm0, $0xb8;
	[tilespmem:$0x1B100] =	vst v63  }
0x60: {  	s19 =	simm.s32 $0x7900  }
0x61: {  	[tilespmem:s19], [sflag:$0x1] =	stream.indirect_vreg.gather [hbm4b:s7+s2], $0x80, v3, vm0, $0xb8;
	[tilespmem:$0x1B100] =	vst v63  }
0x62: {  	s20 =	simm.s32 $0x8100  }
0x63: {  	[tilespmem:s20], [sflag:$0x1] =	stream.indirect_vreg.gather [hbm4b:s8+s2], $0x80, v3, vm0, $0xb8;
	[tilespmem:$0x1B100] =	vst v63  }
0x64: {  	s21 =	simm.s32 $0x8900  }
0x65: {  	[tilespmem:s21], [sflag:$0x1] =	stream.indirect_vreg.gather [hbm4b:s9+s2], $0x80, v3, vm0, $0xb8;
	[tilespmem:$0x1B100] =	vst v63  }
0x66: {  	v3 =	vld [tilespmem:$0x30];
	_ =	sdelay $0x4  }
0x67: {  	v63 =	vshrl.u32 v3, $0x3  }
0x68: {  	v4 =	vmul.u32 $0x30, v63  }
0x69: {  	v3 =	vand.u32 $0x7, v3  }
0x6a: {  	v3 =	vor.u32 v3, v4  }
0x6b: {  	v4 =	vperm.xlane v3, v0;
	_ =	sdelay $0x1  }
0x6c: {  	v4 =	vadd.s32 v1, v4;
	_ =	sdelay $0x3  }
0x6d: {  	s24 =	simm.s32 $0x9100;
	v3 =	vperm.xlane v3, v2  }
0x6e: {  	[tilespmem:s24], [sflag:$0x1] =	stream.indirect_vreg.gather [hbm4b:s7+s2], $0x80, v4, vm0, $0xb8;
	[tilespmem:$0x1B100] =	vst v63  }
0x6f: {  	s25 =	simm.s32 $0x9900;
	v3 =	vadd.s32 v1, v3  }
0x70: {  	[tilespmem:s25], [sflag:$0x1] =	stream.indirect_vreg.gather [hbm4b:s8+s2], $0x80, v4, vm0, $0xb8;
	[tilespmem:$0x1B100] =	vst v63  }
0x71: {  	s26 =	simm.s32 $0xA100  }
0x72: {  	[tilespmem:s26], [sflag:$0x1] =	stream.indirect_vreg.gather [hbm4b:s9+s2], $0x80, v4, vm0, $0xb8;
	[tilespmem:$0x1B100] =	vst v63  }
0x73: {  	s28 =	simm.s32 $0xA900  }
0x74: {  	[tilespmem:s28], [sflag:$0x1] =	stream.indirect_vreg.gather [hbm4b:s7+s2], $0x80, v3, vm0, $0xb8;
	[tilespmem:$0x1B100] =	vst v63  }
0x75: {  	s29 =	simm.s32 $0xB100  }
0x76: {  	[tilespmem:s29], [sflag:$0x1] =	stream.indirect_vreg.gather [hbm4b:s8+s2], $0x80, v3, vm0, $0xb8;
	[tilespmem:$0x1B100] =	vst v63  }
0x77: {  	s30 =	simm.s32 $0xB900  }
0x78: {  	[tilespmem:s30], [sflag:$0x1] =	stream.indirect_vreg.gather [hbm4b:s9+s2], $0x80, v3, vm0, $0xb8;
	[tilespmem:$0x1B100] =	vst v63  }
0x79: {  	v3 =	vld.msk [tilespmem:$0x40], $0xff;
	_ =	sdelay $0x4  }
0x7a: {  	v8 =	vshrl.u32 v3, $0x3  }
0x7b: {  	v4 =	vmul.u32 $0x30, v8  }
0x7c: {  	v3 =	vand.u32 $0x7, v3  }
0x7d: {  	v3 =	vor.u32 v3, v4  }
0x7e: {  	v3 =	vperm.xlane v3, v0;
	_ =	sdelay $0x1  }
0x7f: {  	v3 =	vadd.s32 v1, v3;
	_ =	sdelay $0x3  }
0x80: {  	s31 =	simm.s32 $0xC100  }
0x81: {  	[tilespmem:s31], [sflag:$0x1] =	stream.indirect_vreg.gather [hbm4b:s7+s2], $0x80, v3, vm0, $0xb8;
	[tilespmem:$0x1B100] =	vst v63  }
0x82: {  	s1 =	simm.s32 $0xC900  }
0x83: {  	[tilespmem:s1], [sflag:$0x1] =	stream.indirect_vreg.gather [hbm4b:s8+s2], $0x80, v3, vm0, $0xb8;
	[tilespmem:$0x1B100] =	vst v63  }
0x84: {  	s3 =	simm.s32 $0xD100  }
0x85: {  	[tilespmem:s3], [sflag:$0x1] =	stream.indirect_vreg.gather [hbm4b:s9+s2], $0x80, v3, vm0, $0xb8;
	[tilespmem:$0x1B100] =	vst v63  }
0x86: {  	_ =	swait.ge [sflag:s15], $0xD800  }
0x87: {  	[sflag:s15] =	ssyncset.done $0x0  }
0x88: {  	s25 =	rddreg [dreg:$0x18];
	[sflag:s15] =	ssyncadd.s32 $0xFFFF2800  }
0x89: {  	[hbm4b:s25+s2] =	stream.linear.scatter [tilespmem:s17], [sflag:$0x2], $0xD800, $0x38;
	[tilespmem:$0x1B100] =	vst v63  }
0x8a: {  	s12 =	simm.s32 $0x80;
	s4 =	rddreg [dreg:$0x3]  }
0x8b: {  	[tilespmem:s12], [sflag:$0x4] =	stream.linear.gather [hbm4b:s4+s2], $0x48, $0x38;
	[tilespmem:$0x1B100] =	vst v63  }
0x8c: {  	_ =	swait.ge [sflag:s11], $0x48  }
0x8d: {  	[sflag:s11] =	ssyncset.done $0x0  }
0x8e: {  	[sflag:s11] =	ssyncadd.s32 $0xFFFFFFB8  }
0x8f: {  	v3 =	vld [tilespmem:$0x80];
	_ =	sdelay $0x4  }
0x90: {  	v9 =	vshrl.u32 v3, $0x3  }
0x91: {  	v4 =	vmul.u32 $0x30, v9  }
0x92: {  	v3 =	vand.u32 $0x7, v3  }
0x93: {  	v3 =	vor.u32 v3, v4  }
0x94: {  	v4 =	vperm.xlane v3, v0;
	_ =	sdelay $0x1  }
0x95: {  	v4 =	vadd.s32 v1, v4;
	_ =	sdelay $0x3  }
0x96: {  	v3 =	vperm.xlane v3, v2  }
0x97: {  	[tilespmem:s10], [sflag:$0x1] =	stream.indirect_vreg.gather [hbm4b:s7+s2], $0x80, v4, vm0, $0xb8;
	[tilespmem:$0x1B100] =	vst v63  }
0x98: {  	s19 =	simm.s32 $0xE100;
	v3 =	vadd.s32 v1, v3  }
0x99: {  	[tilespmem:s19], [sflag:$0x1] =	stream.indirect_vreg.gather [hbm4b:s8+s2], $0x80, v4, vm0, $0xb8;
	[tilespmem:$0x1B100] =	vst v63  }
0x9a: {  	s21 =	simm.s32 $0xE900  }
0x9b: {  	[tilespmem:s21], [sflag:$0x1] =	stream.indirect_vreg.gather [hbm4b:s9+s2], $0x80, v4, vm0, $0xb8;
	[tilespmem:$0x1B100] =	vst v63  }
0x9c: {  	s25 =	simm.s32 $0xF100  }
0x9d: {  	[tilespmem:s25], [sflag:$0x1] =	stream.indirect_vreg.gather [hbm4b:s7+s2], $0x80, v3, vm0, $0xb8;
	[tilespmem:$0x1B100] =	vst v63  }
0x9e: {  	s26 =	simm.s32 $0xF900  }
0x9f: {  	[tilespmem:s26], [sflag:$0x1] =	stream.indirect_vreg.gather [hbm4b:s8+s2], $0x80, v3, vm0, $0xb8;
	[tilespmem:$0x1B100] =	vst v63  }
0xa0: {  	s28 =	simm.s32 $0x10100  }
0xa1: {  	[tilespmem:s28], [sflag:$0x1] =	stream.indirect_vreg.gather [hbm4b:s9+s2], $0x80, v3, vm0, $0xb8;
	[tilespmem:$0x1B100] =	vst v63  }
0xa2: {  	v3 =	vld [tilespmem:$0x90];
	_ =	sdelay $0x4  }
0xa3: {  	v10 =	vshrl.u32 v3, $0x3  }
0xa4: {  	v4 =	vmul.u32 $0x30, v10  }
0xa5: {  	v3 =	vand.u32 $0x7, v3  }
0xa6: {  	v3 =	vor.u32 v3, v4  }
0xa7: {  	v4 =	vperm.xlane v3, v0;
	_ =	sdelay $0x1  }
0xa8: {  	v4 =	vadd.s32 v1, v4;
	_ =	sdelay $0x3  }
0xa9: {  	s29 =	simm.s32 $0x10900;
	v3 =	vperm.xlane v3, v2  }
0xaa: {  	[tilespmem:s29], [sflag:$0x1] =	stream.indirect_vreg.gather [hbm4b:s7+s2], $0x80, v4, vm0, $0xb8;
	[tilespmem:$0x1B100] =	vst v63  }
0xab: {  	s30 =	simm.s32 $0x11100;
	v3 =	vadd.s32 v1, v3  }
0xac: {  	[tilespmem:s30], [sflag:$0x1] =	stream.indirect_vreg.gather [hbm4b:s8+s2], $0x80, v4, vm0, $0xb8;
	[tilespmem:$0x1B100] =	vst v63  }
0xad: {  	s31 =	simm.s32 $0x11900  }
0xae: {  	[tilespmem:s31], [sflag:$0x1] =	stream.indirect_vreg.gather [hbm4b:s9+s2], $0x80, v4, vm0, $0xb8;
	[tilespmem:$0x1B100] =	vst v63  }
0xaf: {  	s0 =	simm.s32 $0x12100  }
0xb0: {  	[tilespmem:s0], [sflag:$0x1] =	stream.indirect_vreg.gather [hbm4b:s7+s2], $0x80, v3, vm0, $0xb8;
	[tilespmem:$0x1B100] =	vst v63  }
0xb1: {  	s1 =	simm.s32 $0x12900  }
0xb2: {  	[tilespmem:s1], [sflag:$0x1] =	stream.indirect_vreg.gather [hbm4b:s8+s2], $0x80, v3, vm0, $0xb8;
	[tilespmem:$0x1B100] =	vst v63  }
0xb3: {  	s3 =	simm.s32 $0x13100  }
0xb4: {  	[tilespmem:s3], [sflag:$0x1] =	stream.indirect_vreg.gather [hbm4b:s9+s2], $0x80, v3, vm0, $0xb8;
	[tilespmem:$0x1B100] =	vst v63  }
0xb5: {  	v3 =	vld [tilespmem:$0xA0];
	_ =	sdelay $0x4  }
0xb6: {  	v11 =	vshrl.u32 v3, $0x3  }
0xb7: {  	v4 =	vmul.u32 $0x30, v11  }
0xb8: {  	v3 =	vand.u32 $0x7, v3  }
0xb9: {  	v3 =	vor.u32 v3, v4  }
0xba: {  	v4 =	vperm.xlane v3, v0;
	_ =	sdelay $0x1  }
0xbb: {  	v4 =	vadd.s32 v1, v4;
	_ =	sdelay $0x3  }
0xbc: {  	s4 =	simm.s32 $0x13900;
	v3 =	vperm.xlane v3, v2  }
0xbd: {  	[tilespmem:s4], [sflag:$0x1] =	stream.indirect_vreg.gather [hbm4b:s7+s2], $0x80, v4, vm0, $0xb8;
	[tilespmem:$0x1B100] =	vst v63  }
0xbe: {  	s12 =	simm.s32 $0x14100;
	v3 =	vadd.s32 v1, v3  }
0xbf: {  	[tilespmem:s12], [sflag:$0x1] =	stream.indirect_vreg.gather [hbm4b:s8+s2], $0x80, v4, vm0, $0xb8;
	[tilespmem:$0x1B100] =	vst v63  }
0xc0: {  	s19 =	simm.s32 $0x14900  }
0xc1: {  	[tilespmem:s19], [sflag:$0x1] =	stream.indirect_vreg.gather [hbm4b:s9+s2], $0x80, v4, vm0, $0xb8;
	[tilespmem:$0x1B100] =	vst v63  }
0xc2: {  	s21 =	simm.s32 $0x15100  }
0xc3: {  	[tilespmem:s21], [sflag:$0x1] =	stream.indirect_vreg.gather [hbm4b:s7+s2], $0x80, v3, vm0, $0xb8;
	[tilespmem:$0x1B100] =	vst v63  }
0xc4: {  	s25 =	simm.s32 $0x15900  }
0xc5: {  	[tilespmem:s25], [sflag:$0x1] =	stream.indirect_vreg.gather [hbm4b:s8+s2], $0x80, v3, vm0, $0xb8;
	[tilespmem:$0x1B100] =	vst v63  }
0xc6: {  	s26 =	simm.s32 $0x16100  }
0xc7: {  	[tilespmem:s26], [sflag:$0x1] =	stream.indirect_vreg.gather [hbm4b:s9+s2], $0x80, v3, vm0, $0xb8;
	[tilespmem:$0x1B100] =	vst v63  }
0xc8: {  	v3 =	vld [tilespmem:$0xB0];
	_ =	sdelay $0x4  }
0xc9: {  	v12 =	vshrl.u32 v3, $0x3  }
0xca: {  	v4 =	vmul.u32 $0x30, v12  }
0xcb: {  	v3 =	vand.u32 $0x7, v3  }
0xcc: {  	v3 =	vor.u32 v3, v4  }
0xcd: {  	v4 =	vperm.xlane v3, v0;
	_ =	sdelay $0x1  }
0xce: {  	v4 =	vadd.s32 v1, v4;
	_ =	sdelay $0x3  }
0xcf: {  	s28 =	simm.s32 $0x16900;
	v3 =	vperm.xlane v3, v2  }
0xd0: {  	[tilespmem:s28], [sflag:$0x1] =	stream.indirect_vreg.gather [hbm4b:s7+s2], $0x80, v4, vm0, $0xb8;
	[tilespmem:$0x1B100] =	vst v63  }
0xd1: {  	s29 =	simm.s32 $0x17100;
	v3 =	vadd.s32 v1, v3  }
0xd2: {  	[tilespmem:s29], [sflag:$0x1] =	stream.indirect_vreg.gather [hbm4b:s8+s2], $0x80, v4, vm0, $0xb8;
	[tilespmem:$0x1B100] =	vst v63  }
0xd3: {  	s30 =	simm.s32 $0x17900  }
0xd4: {  	[tilespmem:s30], [sflag:$0x1] =	stream.indirect_vreg.gather [hbm4b:s9+s2], $0x80, v4, vm0, $0xb8;
	[tilespmem:$0x1B100] =	vst v63  }
0xd5: {  	s31 =	simm.s32 $0x18100  }
0xd6: {  	[tilespmem:s31], [sflag:$0x1] =	stream.indirect_vreg.gather [hbm4b:s7+s2], $0x80, v3, vm0, $0xb8;
	[tilespmem:$0x1B100] =	vst v63  }
0xd7: {  	s0 =	simm.s32 $0x18900  }
0xd8: {  	[tilespmem:s0], [sflag:$0x1] =	stream.indirect_vreg.gather [hbm4b:s8+s2], $0x80, v3, vm0, $0xb8;
	[tilespmem:$0x1B100] =	vst v63  }
0xd9: {  	s1 =	simm.s32 $0x19100  }
0xda: {  	[tilespmem:s1], [sflag:$0x1] =	stream.indirect_vreg.gather [hbm4b:s9+s2], $0x80, v3, vm0, $0xb8;
	[tilespmem:$0x1B100] =	vst v63  }
0xdb: {  	v3 =	vld.msk [tilespmem:$0xC0], $0xff;
	_ =	sdelay $0x4  }
0xdc: {  	v13 =	vshrl.u32 v3, $0x3  }
0xdd: {  	v4 =	vmul.u32 $0x30, v13  }
0xde: {  	v3 =	vand.u32 $0x7, v3  }
0xdf: {  	v3 =	vor.u32 v3, v4  }
0xe0: {  	v3 =	vperm.xlane v3, v0;
	_ =	sdelay $0x1  }
0xe1: {  	v3 =	vadd.s32 v1, v3;
	_ =	sdelay $0x3  }
0xe2: {  	s3 =	simm.s32 $0x19900  }
0xe3: {  	[tilespmem:s3], [sflag:$0x1] =	stream.indirect_vreg.gather [hbm4b:s7+s2], $0x80, v3, vm0, $0xb8;
	[tilespmem:$0x1B100] =	vst v63  }
0xe4: {  	s4 =	simm.s32 $0x1A100  }
0xe5: {  	[tilespmem:s4], [sflag:$0x1] =	stream.indirect_vreg.gather [hbm4b:s8+s2], $0x80, v3, vm0, $0xb8;
	[tilespmem:$0x1B100] =	vst v63  }
0xe6: {  	s12 =	simm.s32 $0x1A900  }
0xe7: {  	[tilespmem:s12], [sflag:$0x1] =	stream.indirect_vreg.gather [hbm4b:s9+s2], $0x80, v3, vm0, $0xb8;
	[tilespmem:$0x1B100] =	vst v63  }
0xe8: {  	_ =	swait.ge [sflag:s15], $0xD800  }
0xe9: {  	[sflag:s15] =	ssyncset.done $0x0  }
0xea: {  	s19 =	rddreg [dreg:$0x4];
	[sflag:s15] =	ssyncadd.s32 $0xFFFF2800  }
0xeb: {  	[hbm4b:s19+s2] =	stream.linear.scatter [tilespmem:s10], [sflag:$0x3], $0xD800, $0x38;
	[tilespmem:$0x1B100] =	vst v63  }
0xec: {  	_ =	swait.ge [sflag:s22], $0xD800  }
0xed: {  	[sflag:s22] =	ssyncset.done $0x0  }
0xee: {  	s21 =	rddreg [dreg:$0x5];
	[sflag:s22] =	ssyncadd.s32 $0xFFFF2800  }
0xef: {  	[tilespmem:s2], [sflag:$0x4] =	stream.linear.gather [hbm4b:s21+s2], $0x48, $0x38;
	[tilespmem:$0x1B100] =	vst v63  }
0xf0: {  	_ =	swait.ge [sflag:s11], $0x48  }
0xf1: {  	[sflag:s11] =	ssyncset.done $0x0  }
0xf2: {  	[sflag:s11] =	ssyncadd.s32 $0xFFFFFFB8  }
0xf3: {  	v3 =	vld [tilespmem:$0x0];
	_ =	sdelay $0x4  }
0xf4: {  	v14 =	vshrl.u32 v3, $0x3  }
0xf5: {  	v4 =	vmul.u32 $0x30, v14  }
0xf6: {  	v3 =	vand.u32 $0x7, v3  }
0xf7: {  	v3 =	vor.u32 v3, v4  }
0xf8: {  	v4 =	vperm.xlane v3, v0;
	_ =	sdelay $0x1  }
0xf9: {  	v4 =	vadd.s32 v1, v4;
	_ =	sdelay $0x3  }
0xfa: {  	v3 =	vperm.xlane v3, v2  }
0xfb: {  	[tilespmem:s17], [sflag:$0x1] =	stream.indirect_vreg.gather [hbm4b:s7+s2], $0x80, v4, vm0, $0xb8;
	[tilespmem:$0x1B100] =	vst v63  }
0xfc: {  	s0 =	simm.s32 $0x900;
	v3 =	vadd.s32 v1, v3  }
0xfd: {  	[tilespmem:s0], [sflag:$0x1] =	stream.indirect_vreg.gather [hbm4b:s8+s2], $0x80, v4, vm0, $0xb8;
	[tilespmem:$0x1B100] =	vst v63  }
0xfe: {  	s1 =	simm.s32 $0x1100  }
0xff: {  	[tilespmem:s1], [sflag:$0x1] =	stream.indirect_vreg.gather [hbm4b:s9+s2], $0x80, v4, vm0, $0xb8;
	[tilespmem:$0x1B100] =	vst v63  }
0x100: {  	s3 =	simm.s32 $0x1900  }
0x101: {  	[tilespmem:s3], [sflag:$0x1] =	stream.indirect_vreg.gather [hbm4b:s7+s2], $0x80, v3, vm0, $0xb8;
	[tilespmem:$0x1B100] =	vst v63  }
0x102: {  	s4 =	simm.s32 $0x2100  }
0x103: {  	[tilespmem:s4], [sflag:$0x1] =	stream.indirect_vreg.gather [hbm4b:s8+s2], $0x80, v3, vm0, $0xb8;
	[tilespmem:$0x1B100] =	vst v63  }
0x104: {  	s5 =	simm.s32 $0x2900  }
0x105: {  	[tilespmem:s5], [sflag:$0x1] =	stream.indirect_vreg.gather [hbm4b:s9+s2], $0x80, v3, vm0, $0xb8;
	[tilespmem:$0x1B100] =	vst v63  }
0x106: {  	v3 =	vld [tilespmem:$0x10];
	_ =	sdelay $0x4  }
0x107: {  	v15 =	vshrl.u32 v3, $0x3  }
0x108: {  	v4 =	vmul.u32 $0x30, v15  }
0x109: {  	v3 =	vand.u32 $0x7, v3  }
0x10a: {  	v3 =	vor.u32 v3, v4  }
0x10b: {  	v4 =	vperm.xlane v3, v0;
	_ =	sdelay $0x1  }
0x10c: {  	v4 =	vadd.s32 v1, v4;
	_ =	sdelay $0x3  }
0x10d: {  	s6 =	simm.s32 $0x3100;
	v3 =	vperm.xlane v3, v2  }
0x10e: {  	[tilespmem:s6], [sflag:$0x1] =	stream.indirect_vreg.gather [hbm4b:s7+s2], $0x80, v4, vm0, $0xb8;
	[tilespmem:$0x1B100] =	vst v63  }
0x10f: {  	s5 =	simm.s32 $0x3900;
	v3 =	vadd.s32 v1, v3  }
0x110: {  	[tilespmem:s5], [sflag:$0x1] =	stream.indirect_vreg.gather [hbm4b:s8+s2], $0x80, v4, vm0, $0xb8;
	[tilespmem:$0x1B100] =	vst v63  }
0x111: {  	s6 =	simm.s32 $0x4100  }
0x112: {  	[tilespmem:s6], [sflag:$0x1] =	stream.indirect_vreg.gather [hbm4b:s9+s2], $0x80, v4, vm0, $0xb8;
	[tilespmem:$0x1B100] =	vst v63  }
0x113: {  	s12 =	simm.s32 $0x4900  }
0x114: {  	[tilespmem:s12], [sflag:$0x1] =	stream.indirect_vreg.gather [hbm4b:s7+s2], $0x80, v3, vm0, $0xb8;
	[tilespmem:$0x1B100] =	vst v63  }
0x115: {  	s28 =	simm.s32 $0x5100  }
0x116: {  	[tilespmem:s28], [sflag:$0x1] =	stream.indirect_vreg.gather [hbm4b:s8+s2], $0x80, v3, vm0, $0xb8;
	[tilespmem:$0x1B100] =	vst v63  }
0x117: {  	s13 =	simm.s32 $0x5900  }
0x118: {  	[tilespmem:s13], [sflag:$0x1] =	stream.indirect_vreg.gather [hbm4b:s9+s2], $0x80, v3, vm0, $0xb8;
	[tilespmem:$0x1B100] =	vst v63  }
0x119: {  	v3 =	vld [tilespmem:$0x20];
	_ =	sdelay $0x4  }
0x11a: {  	v16 =	vshrl.u32 v3, $0x3  }
0x11b: {  	v4 =	vmul.u32 $0x30, v16  }
0x11c: {  	v3 =	vand.u32 $0x7, v3  }
0x11d: {  	v3 =	vor.u32 v3, v4  }
0x11e: {  	v4 =	vperm.xlane v3, v0;
	_ =	sdelay $0x1  }
0x11f: {  	v4 =	vadd.s32 v1, v4;
	_ =	sdelay $0x3  }
0x120: {  	s14 =	simm.s32 $0x6100;
	v3 =	vperm.xlane v3, v2  }
0x121: {  	[tilespmem:s14], [sflag:$0x1] =	stream.indirect_vreg.gather [hbm4b:s7+s2], $0x80, v4, vm0, $0xb8;
	[tilespmem:$0x1B100] =	vst v63  }
0x122: {  	s29 =	simm.s32 $0x6900;
	v3 =	vadd.s32 v1, v3  }
0x123: {  	[tilespmem:s29], [sflag:$0x1] =	stream.indirect_vreg.gather [hbm4b:s8+s2], $0x80, v4, vm0, $0xb8;
	[tilespmem:$0x1B100] =	vst v63  }
0x124: {  	s30 =	simm.s32 $0x7100  }
0x125: {  	[tilespmem:s30], [sflag:$0x1] =	stream.indirect_vreg.gather [hbm4b:s9+s2], $0x80, v4, vm0, $0xb8;
	[tilespmem:$0x1B100] =	vst v63  }
0x126: {  	s31 =	simm.s32 $0x7900  }
0x127: {  	[tilespmem:s31], [sflag:$0x1] =	stream.indirect_vreg.gather [hbm4b:s7+s2], $0x80, v3, vm0, $0xb8;
	[tilespmem:$0x1B100] =	vst v63  }
0x128: {  	s13 =	simm.s32 $0x8100  }
0x129: {  	[tilespmem:s13], [sflag:$0x1] =	stream.indirect_vreg.gather [hbm4b:s8+s2], $0x80, v3, vm0, $0xb8;
	[tilespmem:$0x1B100] =	vst v63  }
0x12a: {  	s16 =	simm.s32 $0x8900  }
0x12b: {  	[tilespmem:s16], [sflag:$0x1] =	stream.indirect_vreg.gather [hbm4b:s9+s2], $0x80, v3, vm0, $0xb8;
	[tilespmem:$0x1B100] =	vst v63  }
0x12c: {  	v3 =	vld [tilespmem:$0x30];
	_ =	sdelay $0x4  }
0x12d: {  	v17 =	vshrl.u32 v3, $0x3  }
0x12e: {  	v4 =	vmul.u32 $0x30, v17  }
0x12f: {  	v3 =	vand.u32 $0x7, v3  }
0x130: {  	v3 =	vor.u32 v3, v4  }
0x131: {  	v4 =	vperm.xlane v3, v0;
	_ =	sdelay $0x1  }
0x132: {  	v4 =	vadd.s32 v1, v4;
	_ =	sdelay $0x3  }
0x133: {  	s18 =	simm.s32 $0x9100;
	v3 =	vperm.xlane v3, v2  }
0x134: {  	[tilespmem:s18], [sflag:$0x1] =	stream.indirect_vreg.gather [hbm4b:s7+s2], $0x80, v4, vm0, $0xb8;
	[tilespmem:$0x1B100] =	vst v63  }
0x135: {  	s14 =	simm.s32 $0x9900;
	v3 =	vadd.s32 v1, v3  }
0x136: {  	[tilespmem:s14], [sflag:$0x1] =	stream.indirect_vreg.gather [hbm4b:s8+s2], $0x80, v4, vm0, $0xb8;
	[tilespmem:$0x1B100] =	vst v63  }
0x137: {  	s16 =	simm.s32 $0xA100  }
0x138: {  	[tilespmem:s16], [sflag:$0x1] =	stream.indirect_vreg.gather [hbm4b:s9+s2], $0x80, v4, vm0, $0xb8;
	[tilespmem:$0x1B100] =	vst v63  }
0x139: {  	s18 =	simm.s32 $0xA900  }
0x13a: {  	[tilespmem:s18], [sflag:$0x1] =	stream.indirect_vreg.gather [hbm4b:s7+s2], $0x80, v3, vm0, $0xb8;
	[tilespmem:$0x1B100] =	vst v63  }
0x13b: {  	s19 =	simm.s32 $0xB100  }
0x13c: {  	[tilespmem:s19], [sflag:$0x1] =	stream.indirect_vreg.gather [hbm4b:s8+s2], $0x80, v3, vm0, $0xb8;
	[tilespmem:$0x1B100] =	vst v63  }
0x13d: {  	s20 =	simm.s32 $0xB900  }
0x13e: {  	[tilespmem:s20], [sflag:$0x1] =	stream.indirect_vreg.gather [hbm4b:s9+s2], $0x80, v3, vm0, $0xb8;
	[tilespmem:$0x1B100] =	vst v63  }
0x13f: {  	v3 =	vld.msk [tilespmem:$0x40], $0xff;
	_ =	sdelay $0x4  }
0x140: {  	v18 =	vshrl.u32 v3, $0x3  }
0x141: {  	v4 =	vmul.u32 $0x30, v18  }
0x142: {  	v3 =	vand.u32 $0x7, v3  }
0x143: {  	v3 =	vor.u32 v3, v4  }
0x144: {  	v3 =	vperm.xlane v3, v0;
	_ =	sdelay $0x1  }
0x145: {  	v3 =	vadd.s32 v1, v3;
	_ =	sdelay $0x3  }
0x146: {  	s20 =	simm.s32 $0xC100  }
0x147: {  	[tilespmem:s20], [sflag:$0x1] =	stream.indirect_vreg.gather [hbm4b:s7+s2], $0x80, v3, vm0, $0xb8;
	[tilespmem:$0x1B100] =	vst v63  }
0x148: {  	s21 =	simm.s32 $0xC900  }
0x149: {  	[tilespmem:s21], [sflag:$0x1] =	stream.indirect_vreg.gather [hbm4b:s8+s2], $0x80, v3, vm0, $0xb8;
	[tilespmem:$0x1B100] =	vst v63  }
0x14a: {  	s26 =	simm.s32 $0xD100  }
0x14b: {  	[tilespmem:s26], [sflag:$0x1] =	stream.indirect_vreg.gather [hbm4b:s9+s2], $0x80, v3, vm0, $0xb8;
	[tilespmem:$0x1B100] =	vst v63  }
0x14c: {  	_ =	swait.ge [sflag:s15], $0xD800  }
0x14d: {  	[sflag:s15] =	ssyncset.done $0x0  }
0x14e: {  	s25 =	rddreg [dreg:$0x6];
	[sflag:s15] =	ssyncadd.s32 $0xFFFF2800  }
0x14f: {  	[hbm4b:s25+s2] =	stream.linear.scatter [tilespmem:s17], [sflag:$0x2], $0xD800, $0x38;
	[tilespmem:$0x1B100] =	vst v63  }
0x150: {  	_ =	swait.ge [sflag:s23], $0xD800  }
0x151: {  	[sflag:s23] =	ssyncset.done $0x0  }
0x152: {  	s25 =	simm.s32 $0x80;
	s24 =	rddreg [dreg:$0x7];
	[sflag:s23] =	ssyncadd.s32 $0xFFFF2800  }
0x153: {  	[tilespmem:s25], [sflag:$0x4] =	stream.linear.gather [hbm4b:s24+s2], $0x48, $0x38;
	[tilespmem:$0x1B100] =	vst v63  }
0x154: {  	_ =	swait.ge [sflag:s11], $0x48  }
0x155: {  	[sflag:s11] =	ssyncset.done $0x0  }
0x156: {  	[sflag:s11] =	ssyncadd.s32 $0xFFFFFFB8  }
0x157: {  	v3 =	vld [tilespmem:$0x80];
	_ =	sdelay $0x4  }
0x158: {  	v19 =	vshrl.u32 v3, $0x3  }
0x159: {  	v4 =	vmul.u32 $0x30, v19  }
0x15a: {  	v3 =	vand.u32 $0x7, v3  }
0x15b: {  	v3 =	vor.u32 v3, v4  }
0x15c: {  	v4 =	vperm.xlane v3, v0;
	_ =	sdelay $0x1  }
0x15d: {  	v4 =	vadd.s32 v1, v4;
	_ =	sdelay $0x3  }
0x15e: {  	v3 =	vperm.xlane v3, v2  }
0x15f: {  	[tilespmem:s10], [sflag:$0x1] =	stream.indirect_vreg.gather [hbm4b:s7+s2], $0x80, v4, vm0, $0xb8;
	[tilespmem:$0x1B100] =	vst v63  }
0x160: {  	s25 =	simm.s32 $0xE100;
	v3 =	vadd.s32 v1, v3  }
0x161: {  	[tilespmem:s25], [sflag:$0x1] =	stream.indirect_vreg.gather [hbm4b:s8+s2], $0x80, v4, vm0, $0xb8;
	[tilespmem:$0x1B100] =	vst v63  }
0x162: {  	s24 =	simm.s32 $0xE900  }
0x163: {  	[tilespmem:s24], [sflag:$0x1] =	stream.indirect_vreg.gather [hbm4b:s9+s2], $0x80, v4, vm0, $0xb8;
	[tilespmem:$0x1B100] =	vst v63  }
0x164: {  	s24 =	simm.s32 $0xF100  }
0x165: {  	[tilespmem:s24], [sflag:$0x1] =	stream.indirect_vreg.gather [hbm4b:s7+s2], $0x80, v3, vm0, $0xb8;
	[tilespmem:$0x1B100] =	vst v63  }
0x166: {  	s24 =	simm.s32 $0xF900  }
0x167: {  	[tilespmem:s24], [sflag:$0x1] =	stream.indirect_vreg.gather [hbm4b:s8+s2], $0x80, v3, vm0, $0xb8;
	[tilespmem:$0x1B100] =	vst v63  }
0x168: {  	s24 =	simm.s32 $0x10100  }
0x169: {  	[tilespmem:s24], [sflag:$0x1] =	stream.indirect_vreg.gather [hbm4b:s9+s2], $0x80, v3, vm0, $0xb8;
	[tilespmem:$0x1B100] =	vst v63  }
0x16a: {  	v3 =	vld [tilespmem:$0x90];
	_ =	sdelay $0x4  }
0x16b: {  	v20 =	vshrl.u32 v3, $0x3  }
0x16c: {  	v4 =	vmul.u32 $0x30, v20  }
0x16d: {  	v3 =	vand.u32 $0x7, v3  }
0x16e: {  	v3 =	vor.u32 v3, v4  }
0x16f: {  	v4 =	vperm.xlane v3, v0;
	_ =	sdelay $0x1  }
0x170: {  	v4 =	vadd.s32 v1, v4;
	_ =	sdelay $0x3  }
0x171: {  	s24 =	simm.s32 $0x10900;
	v3 =	vperm.xlane v3, v2  }
0x172: {  	[tilespmem:s24], [sflag:$0x1] =	stream.indirect_vreg.gather [hbm4b:s7+s2], $0x80, v4, vm0, $0xb8;
	[tilespmem:$0x1B100] =	vst v63  }
0x173: {  	v3 =	vadd.s32 v1, v3;
	s24 =	simm.s32 $0x11100  }
0x174: {  	[tilespmem:s24], [sflag:$0x1] =	stream.indirect_vreg.gather [hbm4b:s8+s2], $0x80, v4, vm0, $0xb8;
	[tilespmem:$0x1B100] =	vst v63  }
0x175: {  	s24 =	simm.s32 $0x11900  }
0x176: {  	[tilespmem:s24], [sflag:$0x1] =	stream.indirect_vreg.gather [hbm4b:s9+s2], $0x80, v4, vm0, $0xb8;
	[tilespmem:$0x1B100] =	vst v63  }
0x177: {  	s24 =	simm.s32 $0x12100  }
0x178: {  	[tilespmem:s24], [sflag:$0x1] =	stream.indirect_vreg.gather [hbm4b:s7+s2], $0x80, v3, vm0, $0xb8;
	[tilespmem:$0x1B100] =	vst v63  }
0x179: {  	s24 =	simm.s32 $0x12900  }
0x17a: {  	[tilespmem:s24], [sflag:$0x1] =	stream.indirect_vreg.gather [hbm4b:s8+s2], $0x80, v3, vm0, $0xb8;
	[tilespmem:$0x1B100] =	vst v63  }
0x17b: {  	s24 =	simm.s32 $0x13100  }
0x17c: {  	[tilespmem:s24], [sflag:$0x1] =	stream.indirect_vreg.gather [hbm4b:s9+s2], $0x80, v3, vm0, $0xb8;
	[tilespmem:$0x1B100] =	vst v63  }
0x17d: {  	v3 =	vld [tilespmem:$0xA0];
	_ =	sdelay $0x4  }
0x17e: {  	v21 =	vshrl.u32 v3, $0x3  }
0x17f: {  	v4 =	vmul.u32 $0x30, v21  }
0x180: {  	v3 =	vand.u32 $0x7, v3  }
0x181: {  	v3 =	vor.u32 v3, v4  }
0x182: {  	v4 =	vperm.xlane v3, v0;
	_ =	sdelay $0x1  }
0x183: {  	v4 =	vadd.s32 v1, v4;
	_ =	sdelay $0x3  }
0x184: {  	s24 =	simm.s32 $0x13900;
	v3 =	vperm.xlane v3, v2  }
0x185: {  	[tilespmem:s24], [sflag:$0x1] =	stream.indirect_vreg.gather [hbm4b:s7+s2], $0x80, v4, vm0, $0xb8;
	[tilespmem:$0x1B100] =	vst v63  }
0x186: {  	v3 =	vadd.s32 v1, v3;
	s24 =	simm.s32 $0x14100  }
0x187: {  	[tilespmem:s24], [sflag:$0x1] =	stream.indirect_vreg.gather [hbm4b:s8+s2], $0x80, v4, vm0, $0xb8;
	[tilespmem:$0x1B100] =	vst v63  }
0x188: {  	s24 =	simm.s32 $0x14900  }
0x189: {  	[tilespmem:s24], [sflag:$0x1] =	stream.indirect_vreg.gather [hbm4b:s9+s2], $0x80, v4, vm0, $0xb8;
	[tilespmem:$0x1B100] =	vst v63  }
0x18a: {  	s24 =	simm.s32 $0x15100  }
0x18b: {  	[tilespmem:s24], [sflag:$0x1] =	stream.indirect_vreg.gather [hbm4b:s7+s2], $0x80, v3, vm0, $0xb8;
	[tilespmem:$0x1B100] =	vst v63  }
0x18c: {  	s24 =	simm.s32 $0x15900  }
0x18d: {  	[tilespmem:s24], [sflag:$0x1] =	stream.indirect_vreg.gather [hbm4b:s8+s2], $0x80, v3, vm0, $0xb8;
	[tilespmem:$0x1B100] =	vst v63  }
0x18e: {  	s24 =	simm.s32 $0x16100  }
0x18f: {  	[tilespmem:s24], [sflag:$0x1] =	stream.indirect_vreg.gather [hbm4b:s9+s2], $0x80, v3, vm0, $0xb8;
	[tilespmem:$0x1B100] =	vst v63  }
0x190: {  	v3 =	vld [tilespmem:$0xB0];
	_ =	sdelay $0x4  }
0x191: {  	v22 =	vshrl.u32 v3, $0x3  }
0x192: {  	v4 =	vmul.u32 $0x30, v22  }
0x193: {  	v3 =	vand.u32 $0x7, v3  }
0x194: {  	v3 =	vor.u32 v3, v4  }
0x195: {  	v4 =	vperm.xlane v3, v0;
	_ =	sdelay $0x1  }
0x196: {  	v4 =	vadd.s32 v1, v4;
	_ =	sdelay $0x3  }
0x197: {  	s24 =	simm.s32 $0x16900;
	v3 =	vperm.xlane v3, v2  }
0x198: {  	[tilespmem:s24], [sflag:$0x1] =	stream.indirect_vreg.gather [hbm4b:s7+s2], $0x80, v4, vm0, $0xb8;
	[tilespmem:$0x1B100] =	vst v63  }
0x199: {  	v3 =	vadd.s32 v1, v3;
	s24 =	simm.s32 $0x17100  }
0x19a: {  	[tilespmem:s24], [sflag:$0x1] =	stream.indirect_vreg.gather [hbm4b:s8+s2], $0x80, v4, vm0, $0xb8;
	[tilespmem:$0x1B100] =	vst v63  }
0x19b: {  	s24 =	simm.s32 $0x17900  }
0x19c: {  	[tilespmem:s24], [sflag:$0x1] =	stream.indirect_vreg.gather [hbm4b:s9+s2], $0x80, v4, vm0, $0xb8;
	[tilespmem:$0x1B100] =	vst v63  }
0x19d: {  	s24 =	simm.s32 $0x18100  }
0x19e: {  	[tilespmem:s24], [sflag:$0x1] =	stream.indirect_vreg.gather [hbm4b:s7+s2], $0x80, v3, vm0, $0xb8;
	[tilespmem:$0x1B100] =	vst v63  }
0x19f: {  	s24 =	simm.s32 $0x18900  }
0x1a0: {  	[tilespmem:s24], [sflag:$0x1] =	stream.indirect_vreg.gather [hbm4b:s8+s2], $0x80, v3, vm0, $0xb8;
	[tilespmem:$0x1B100] =	vst v63  }
0x1a1: {  	s24 =	simm.s32 $0x19100  }
0x1a2: {  	[tilespmem:s24], [sflag:$0x1] =	stream.indirect_vreg.gather [hbm4b:s9+s2], $0x80, v3, vm0, $0xb8;
	[tilespmem:$0x1B100] =	vst v63  }
0x1a3: {  	v3 =	vld.msk [tilespmem:$0xC0], $0xff;
	_ =	sdelay $0x4  }
0x1a4: {  	v23 =	vshrl.u32 v3, $0x3  }
0x1a5: {  	v4 =	vmul.u32 $0x30, v23  }
0x1a6: {  	v3 =	vand.u32 $0x7, v3  }
0x1a7: {  	v3 =	vor.u32 v3, v4  }
0x1a8: {  	v3 =	vperm.xlane v3, v0;
	_ =	sdelay $0x1  }
0x1a9: {  	v3 =	vadd.s32 v1, v3;
	_ =	sdelay $0x3  }
0x1aa: {  	s24 =	simm.s32 $0x19900  }
0x1ab: {  	[tilespmem:s24], [sflag:$0x1] =	stream.indirect_vreg.gather [hbm4b:s7+s2], $0x80, v3, vm0, $0xb8;
	[tilespmem:$0x1B100] =	vst v63  }
0x1ac: {  	s24 =	simm.s32 $0x1A100  }
0x1ad: {  	[tilespmem:s24], [sflag:$0x1] =	stream.indirect_vreg.gather [hbm4b:s8+s2], $0x80, v3, vm0, $0xb8;
	[tilespmem:$0x1B100] =	vst v63  }
0x1ae: {  	s24 =	simm.s32 $0x1A900  }
0x1af: {  	[tilespmem:s24], [sflag:$0x1] =	stream.indirect_vreg.gather [hbm4b:s9+s2], $0x80, v3, vm0, $0xb8;
	[tilespmem:$0x1B100] =	vst v63  }
0x1b0: {  	_ =	swait.ge [sflag:s15], $0xD800  }
0x1b1: {  	[sflag:s15] =	ssyncset.done $0x0  }
0x1b2: {  	s24 =	rddreg [dreg:$0x8];
	[sflag:s15] =	ssyncadd.s32 $0xFFFF2800  }
0x1b3: {  	[hbm4b:s24+s2] =	stream.linear.scatter [tilespmem:s10], [sflag:$0x3], $0xD800, $0x38;
	[tilespmem:$0x1B100] =	vst v63  }
0x1b4: {  	_ =	swait.ge [sflag:s22], $0xD800  }
0x1b5: {  	[sflag:s22] =	ssyncset.done $0x0  }
0x1b6: {  	s24 =	rddreg [dreg:$0x9];
	[sflag:s22] =	ssyncadd.s32 $0xFFFF2800  }
0x1b7: {  	[tilespmem:s2], [sflag:$0x4] =	stream.linear.gather [hbm4b:s24+s2], $0x48, $0x38;
	[tilespmem:$0x1B100] =	vst v63  }
0x1b8: {  	_ =	swait.ge [sflag:s11], $0x48  }
0x1b9: {  	[sflag:s11] =	ssyncset.done $0x0  }
0x1ba: {  	[sflag:s11] =	ssyncadd.s32 $0xFFFFFFB8  }
0x1bb: {  	v3 =	vld [tilespmem:$0x0];
	_ =	sdelay $0x4  }
0x1bc: {  	v24 =	vshrl.u32 v3, $0x3  }
0x1bd: {  	v4 =	vmul.u32 $0x30, v24  }
0x1be: {  	v3 =	vand.u32 $0x7, v3  }
0x1bf: {  	v3 =	vor.u32 v3, v4  }
0x1c0: {  	v4 =	vperm.xlane v3, v0;
	_ =	sdelay $0x1  }
0x1c1: {  	v4 =	vadd.s32 v1, v4;
	_ =	sdelay $0x3  }
0x1c2: {  	v3 =	vperm.xlane v3, v2  }
0x1c3: {  	[tilespmem:s17], [sflag:$0x1] =	stream.indirect_vreg.gather [hbm4b:s7+s2], $0x80, v4, vm0, $0xb8;
	[tilespmem:$0x1B100] =	vst v63  }
0x1c4: {  	v3 =	vadd.s32 v1, v3  }
0x1c5: {  	[tilespmem:s0], [sflag:$0x1] =	stream.indirect_vreg.gather [hbm4b:s8+s2], $0x80, v4, vm0, $0xb8;
	[tilespmem:$0x1B100] =	vst v63  }
0x1c6: {  	_ = 	snop  }
0x1c7: {  	[tilespmem:s1], [sflag:$0x1] =	stream.indirect_vreg.gather [hbm4b:s9+s2], $0x80, v4, vm0, $0xb8;
	[tilespmem:$0x1B100] =	vst v63  }
0x1c8: {  	_ = 	snop  }
0x1c9: {  	[tilespmem:s3], [sflag:$0x1] =	stream.indirect_vreg.gather [hbm4b:s7+s2], $0x80, v3, vm0, $0xb8;
	[tilespmem:$0x1B100] =	vst v63  }
0x1ca: {  	_ = 	snop  }
0x1cb: {  	[tilespmem:s4], [sflag:$0x1] =	stream.indirect_vreg.gather [hbm4b:s8+s2], $0x80, v3, vm0, $0xb8;
	[tilespmem:$0x1B100] =	vst v63  }
0x1cc: {  	s4 =	simm.s32 $0x2900  }
0x1cd: {  	[tilespmem:s4], [sflag:$0x1] =	stream.indirect_vreg.gather [hbm4b:s9+s2], $0x80, v3, vm0, $0xb8;
	[tilespmem:$0x1B100] =	vst v63  }
0x1ce: {  	v3 =	vld [tilespmem:$0x10];
	_ =	sdelay $0x4  }
0x1cf: {  	v25 =	vshrl.u32 v3, $0x3  }
0x1d0: {  	v4 =	vmul.u32 $0x30, v25  }
0x1d1: {  	v3 =	vand.u32 $0x7, v3  }
0x1d2: {  	v3 =	vor.u32 v3, v4  }
0x1d3: {  	v4 =	vperm.xlane v3, v0;
	_ =	sdelay $0x1  }
0x1d4: {  	v4 =	vadd.s32 v1, v4;
	_ =	sdelay $0x3  }
0x1d5: {  	s24 =	simm.s32 $0x3100;
	v3 =	vperm.xlane v3, v2  }
0x1d6: {  	[tilespmem:s24], [sflag:$0x1] =	stream.indirect_vreg.gather [hbm4b:s7+s2], $0x80, v4, vm0, $0xb8;
	[tilespmem:$0x1B100] =	vst v63  }
0x1d7: {  	v3 =	vadd.s32 v1, v3  }
0x1d8: {  	[tilespmem:s5], [sflag:$0x1] =	stream.indirect_vreg.gather [hbm4b:s8+s2], $0x80, v4, vm0, $0xb8;
	[tilespmem:$0x1B100] =	vst v63  }
0x1d9: {  	_ = 	snop  }
0x1da: {  	[tilespmem:s6], [sflag:$0x1] =	stream.indirect_vreg.gather [hbm4b:s9+s2], $0x80, v4, vm0, $0xb8;
	[tilespmem:$0x1B100] =	vst v63  }
0x1db: {  	_ = 	snop  }
0x1dc: {  	[tilespmem:s12], [sflag:$0x1] =	stream.indirect_vreg.gather [hbm4b:s7+s2], $0x80, v3, vm0, $0xb8;
	[tilespmem:$0x1B100] =	vst v63  }
0x1dd: {  	_ = 	snop  }
0x1de: {  	[tilespmem:s28], [sflag:$0x1] =	stream.indirect_vreg.gather [hbm4b:s8+s2], $0x80, v3, vm0, $0xb8;
	[tilespmem:$0x1B100] =	vst v63  }
0x1df: {  	s1 =	simm.s32 $0x5900  }
0x1e0: {  	[tilespmem:s1], [sflag:$0x1] =	stream.indirect_vreg.gather [hbm4b:s9+s2], $0x80, v3, vm0, $0xb8;
	[tilespmem:$0x1B100] =	vst v63  }
0x1e1: {  	v3 =	vld [tilespmem:$0x20];
	_ =	sdelay $0x4  }
0x1e2: {  	v26 =	vshrl.u32 v3, $0x3  }
0x1e3: {  	v4 =	vmul.u32 $0x30, v26  }
0x1e4: {  	v3 =	vand.u32 $0x7, v3  }
0x1e5: {  	v3 =	vor.u32 v3, v4  }
0x1e6: {  	v4 =	vperm.xlane v3, v0;
	_ =	sdelay $0x1  }
0x1e7: {  	v4 =	vadd.s32 v1, v4;
	_ =	sdelay $0x3  }
0x1e8: {  	s3 =	simm.s32 $0x6100;
	v3 =	vperm.xlane v3, v2  }
0x1e9: {  	[tilespmem:s3], [sflag:$0x1] =	stream.indirect_vreg.gather [hbm4b:s7+s2], $0x80, v4, vm0, $0xb8;
	[tilespmem:$0x1B100] =	vst v63  }
0x1ea: {  	v3 =	vadd.s32 v1, v3  }
0x1eb: {  	[tilespmem:s29], [sflag:$0x1] =	stream.indirect_vreg.gather [hbm4b:s8+s2], $0x80, v4, vm0, $0xb8;
	[tilespmem:$0x1B100] =	vst v63  }
0x1ec: {  	_ = 	snop  }
0x1ed: {  	[tilespmem:s30], [sflag:$0x1] =	stream.indirect_vreg.gather [hbm4b:s9+s2], $0x80, v4, vm0, $0xb8;
	[tilespmem:$0x1B100] =	vst v63  }
0x1ee: {  	_ = 	snop  }
0x1ef: {  	[tilespmem:s31], [sflag:$0x1] =	stream.indirect_vreg.gather [hbm4b:s7+s2], $0x80, v3, vm0, $0xb8;
	[tilespmem:$0x1B100] =	vst v63  }
0x1f0: {  	_ = 	snop  }
0x1f1: {  	[tilespmem:s13], [sflag:$0x1] =	stream.indirect_vreg.gather [hbm4b:s8+s2], $0x80, v3, vm0, $0xb8;
	[tilespmem:$0x1B100] =	vst v63  }
0x1f2: {  	s4 =	simm.s32 $0x8900  }
0x1f3: {  	[tilespmem:s4], [sflag:$0x1] =	stream.indirect_vreg.gather [hbm4b:s9+s2], $0x80, v3, vm0, $0xb8;
	[tilespmem:$0x1B100] =	vst v63  }
0x1f4: {  	v3 =	vld [tilespmem:$0x30];
	_ =	sdelay $0x4  }
0x1f5: {  	v27 =	vshrl.u32 v3, $0x3  }
0x1f6: {  	v4 =	vmul.u32 $0x30, v27  }
0x1f7: {  	v3 =	vand.u32 $0x7, v3  }
0x1f8: {  	v3 =	vor.u32 v3, v4  }
0x1f9: {  	v4 =	vperm.xlane v3, v0;
	_ =	sdelay $0x1  }
0x1fa: {  	v4 =	vadd.s32 v1, v4;
	_ =	sdelay $0x3  }
0x1fb: {  	s5 =	simm.s32 $0x9100;
	v3 =	vperm.xlane v3, v2  }
0x1fc: {  	[tilespmem:s5], [sflag:$0x1] =	stream.indirect_vreg.gather [hbm4b:s7+s2], $0x80, v4, vm0, $0xb8;
	[tilespmem:$0x1B100] =	vst v63  }
0x1fd: {  	v3 =	vadd.s32 v1, v3  }
0x1fe: {  	[tilespmem:s14], [sflag:$0x1] =	stream.indirect_vreg.gather [hbm4b:s8+s2], $0x80, v4, vm0, $0xb8;
	[tilespmem:$0x1B100] =	vst v63  }
0x1ff: {  	_ = 	snop  }
0x200: {  	[tilespmem:s16], [sflag:$0x1] =	stream.indirect_vreg.gather [hbm4b:s9+s2], $0x80, v4, vm0, $0xb8;
	[tilespmem:$0x1B100] =	vst v63  }
0x201: {  	_ = 	snop  }
0x202: {  	[tilespmem:s18], [sflag:$0x1] =	stream.indirect_vreg.gather [hbm4b:s7+s2], $0x80, v3, vm0, $0xb8;
	[tilespmem:$0x1B100] =	vst v63  }
0x203: {  	_ = 	snop  }
0x204: {  	[tilespmem:s19], [sflag:$0x1] =	stream.indirect_vreg.gather [hbm4b:s8+s2], $0x80, v3, vm0, $0xb8;
	[tilespmem:$0x1B100] =	vst v63  }
0x205: {  	s6 =	simm.s32 $0xB900  }
0x206: {  	[tilespmem:s6], [sflag:$0x1] =	stream.indirect_vreg.gather [hbm4b:s9+s2], $0x80, v3, vm0, $0xb8;
	[tilespmem:$0x1B100] =	vst v63  }
0x207: {  	v3 =	vld.msk [tilespmem:$0x40], $0xff;
	_ =	sdelay $0x4  }
0x208: {  	v28 =	vshrl.u32 v3, $0x3  }
0x209: {  	v4 =	vmul.u32 $0x30, v28  }
0x20a: {  	v3 =	vand.u32 $0x7, v3  }
0x20b: {  	v3 =	vor.u32 v3, v4  }
0x20c: {  	v3 =	vperm.xlane v3, v0;
	_ =	sdelay $0x1  }
0x20d: {  	v3 =	vadd.s32 v1, v3;
	_ =	sdelay $0x4  }
0x20e: {  	[tilespmem:s20], [sflag:$0x1] =	stream.indirect_vreg.gather [hbm4b:s7+s2], $0x80, v3, vm0, $0xb8;
	[tilespmem:$0x1B100] =	vst v63  }
0x20f: {  	_ = 	snop  }
0x210: {  	[tilespmem:s21], [sflag:$0x1] =	stream.indirect_vreg.gather [hbm4b:s8+s2], $0x80, v3, vm0, $0xb8;
	[tilespmem:$0x1B100] =	vst v63  }
0x211: {  	_ = 	snop  }
0x212: {  	[tilespmem:s26], [sflag:$0x1] =	stream.indirect_vreg.gather [hbm4b:s9+s2], $0x80, v3, vm0, $0xb8;
	[tilespmem:$0x1B100] =	vst v63  }
0x213: {  	_ =	swait.ge [sflag:s15], $0xD800  }
0x214: {  	[sflag:s15] =	ssyncset.done $0x0  }
0x215: {  	s12 =	rddreg [dreg:$0xa];
	[sflag:s15] =	ssyncadd.s32 $0xFFFF2800  }
0x216: {  	[hbm4b:s12+s2] =	stream.linear.scatter [tilespmem:s17], [sflag:$0x2], $0xD800, $0x38;
	[tilespmem:$0x1B100] =	vst v63  }
0x217: {  	_ =	swait.ge [sflag:s23], $0xD800  }
0x218: {  	[sflag:s23] =	ssyncset.done $0x0  }
0x219: {  	s14 =	simm.s32 $0x80;
	s13 =	rddreg [dreg:$0xb];
	[sflag:s23] =	ssyncadd.s32 $0xFFFF2800  }
0x21a: {  	[tilespmem:s14], [sflag:$0x4] =	stream.linear.gather [hbm4b:s13+s2], $0x48, $0x38;
	[tilespmem:$0x1B100] =	vst v63  }
0x21b: {  	_ =	swait.ge [sflag:s11], $0x48  }
0x21c: {  	[sflag:s11] =	ssyncset.done $0x0  }
0x21d: {  	[sflag:s11] =	ssyncadd.s32 $0xFFFFFFB8  }
0x21e: {  	v3 =	vld [tilespmem:$0x80];
	_ =	sdelay $0x4  }
0x21f: {  	v29 =	vshrl.u32 v3, $0x3  }
0x220: {  	v4 =	vmul.u32 $0x30, v29  }
0x221: {  	v3 =	vand.u32 $0x7, v3  }
0x222: {  	v3 =	vor.u32 v3, v4  }
0x223: {  	v4 =	vperm.xlane v3, v0;
	_ =	sdelay $0x1  }
0x224: {  	v4 =	vadd.s32 v1, v4;
	_ =	sdelay $0x3  }
0x225: {  	v3 =	vperm.xlane v3, v2  }
0x226: {  	[tilespmem:s10], [sflag:$0x1] =	stream.indirect_vreg.gather [hbm4b:s7+s2], $0x80, v4, vm0, $0xb8;
	[tilespmem:$0x1B100] =	vst v63  }
0x227: {  	s25 =	simm.s32 $0xE100;
	v3 =	vadd.s32 v1, v3  }
0x228: {  	[tilespmem:s25], [sflag:$0x1] =	stream.indirect_vreg.gather [hbm4b:s8+s2], $0x80, v4, vm0, $0xb8;
	[tilespmem:$0x1B100] =	vst v63  }
0x229: {  	s16 =	simm.s32 $0xE900  }
0x22a: {  	[tilespmem:s16], [sflag:$0x1] =	stream.indirect_vreg.gather [hbm4b:s9+s2], $0x80, v4, vm0, $0xb8;
	[tilespmem:$0x1B100] =	vst v63  }
0x22b: {  	s18 =	simm.s32 $0xF100  }
0x22c: {  	[tilespmem:s18], [sflag:$0x1] =	stream.indirect_vreg.gather [hbm4b:s7+s2], $0x80, v3, vm0, $0xb8;
	[tilespmem:$0x1B100] =	vst v63  }
0x22d: {  	s19 =	simm.s32 $0xF900  }
0x22e: {  	[tilespmem:s19], [sflag:$0x1] =	stream.indirect_vreg.gather [hbm4b:s8+s2], $0x80, v3, vm0, $0xb8;
	[tilespmem:$0x1B100] =	vst v63  }
0x22f: {  	s20 =	simm.s32 $0x10100  }
0x230: {  	[tilespmem:s20], [sflag:$0x1] =	stream.indirect_vreg.gather [hbm4b:s9+s2], $0x80, v3, vm0, $0xb8;
	[tilespmem:$0x1B100] =	vst v63  }
0x231: {  	v3 =	vld [tilespmem:$0x90];
	_ =	sdelay $0x4  }
0x232: {  	v30 =	vshrl.u32 v3, $0x3  }
0x233: {  	v4 =	vmul.u32 $0x30, v30  }
0x234: {  	v3 =	vand.u32 $0x7, v3  }
0x235: {  	v3 =	vor.u32 v3, v4  }
0x236: {  	v4 =	vperm.xlane v3, v0;
	_ =	sdelay $0x1  }
0x237: {  	v4 =	vadd.s32 v1, v4;
	_ =	sdelay $0x3  }
0x238: {  	s21 =	simm.s32 $0x10900;
	v3 =	vperm.xlane v3, v2  }
0x239: {  	[tilespmem:s21], [sflag:$0x1] =	stream.indirect_vreg.gather [hbm4b:s7+s2], $0x80, v4, vm0, $0xb8;
	[tilespmem:$0x1B100] =	vst v63  }
0x23a: {  	s24 =	simm.s32 $0x11100;
	v3 =	vadd.s32 v1, v3  }
0x23b: {  	[tilespmem:s24], [sflag:$0x1] =	stream.indirect_vreg.gather [hbm4b:s8+s2], $0x80, v4, vm0, $0xb8;
	[tilespmem:$0x1B100] =	vst v63  }
0x23c: {  	s25 =	simm.s32 $0x11900  }
0x23d: {  	[tilespmem:s25], [sflag:$0x1] =	stream.indirect_vreg.gather [hbm4b:s9+s2], $0x80, v4, vm0, $0xb8;
	[tilespmem:$0x1B100] =	vst v63  }
0x23e: {  	s26 =	simm.s32 $0x12100  }
0x23f: {  	[tilespmem:s26], [sflag:$0x1] =	stream.indirect_vreg.gather [hbm4b:s7+s2], $0x80, v3, vm0, $0xb8;
	[tilespmem:$0x1B100] =	vst v63  }
0x240: {  	s28 =	simm.s32 $0x12900  }
0x241: {  	[tilespmem:s28], [sflag:$0x1] =	stream.indirect_vreg.gather [hbm4b:s8+s2], $0x80, v3, vm0, $0xb8;
	[tilespmem:$0x1B100] =	vst v63  }
0x242: {  	s29 =	simm.s32 $0x13100  }
0x243: {  	[tilespmem:s29], [sflag:$0x1] =	stream.indirect_vreg.gather [hbm4b:s9+s2], $0x80, v3, vm0, $0xb8;
	[tilespmem:$0x1B100] =	vst v63  }
0x244: {  	v3 =	vld [tilespmem:$0xA0];
	_ =	sdelay $0x4  }
0x245: {  	v31 =	vshrl.u32 v3, $0x3  }
0x246: {  	v4 =	vmul.u32 $0x30, v31  }
0x247: {  	v3 =	vand.u32 $0x7, v3  }
0x248: {  	v3 =	vor.u32 v3, v4  }
0x249: {  	v4 =	vperm.xlane v3, v0;
	_ =	sdelay $0x1  }
0x24a: {  	v4 =	vadd.s32 v1, v4;
	_ =	sdelay $0x3  }
0x24b: {  	s0 =	simm.s32 $0x13900;
	v3 =	vperm.xlane v3, v2  }
0x24c: {  	[tilespmem:s0], [sflag:$0x1] =	stream.indirect_vreg.gather [hbm4b:s7+s2], $0x80, v4, vm0, $0xb8;
	[tilespmem:$0x1B100] =	vst v63  }
0x24d: {  	s16 =	simm.s32 $0x14100;
	v3 =	vadd.s32 v1, v3  }
0x24e: {  	[tilespmem:s16], [sflag:$0x1] =	stream.indirect_vreg.gather [hbm4b:s8+s2], $0x80, v4, vm0, $0xb8;
	[tilespmem:$0x1B100] =	vst v63  }
0x24f: {  	s18 =	simm.s32 $0x14900  }
0x250: {  	[tilespmem:s18], [sflag:$0x1] =	stream.indirect_vreg.gather [hbm4b:s9+s2], $0x80, v4, vm0, $0xb8;
	[tilespmem:$0x1B100] =	vst v63  }
0x251: {  	s19 =	simm.s32 $0x15100  }
0x252: {  	[tilespmem:s19], [sflag:$0x1] =	stream.indirect_vreg.gather [hbm4b:s7+s2], $0x80, v3, vm0, $0xb8;
	[tilespmem:$0x1B100] =	vst v63  }
0x253: {  	s20 =	simm.s32 $0x15900  }
0x254: {  	[tilespmem:s20], [sflag:$0x1] =	stream.indirect_vreg.gather [hbm4b:s8+s2], $0x80, v3, vm0, $0xb8;
	[tilespmem:$0x1B100] =	vst v63  }
0x255: {  	s21 =	simm.s32 $0x16100  }
0x256: {  	[tilespmem:s21], [sflag:$0x1] =	stream.indirect_vreg.gather [hbm4b:s9+s2], $0x80, v3, vm0, $0xb8;
	[tilespmem:$0x1B100] =	vst v63  }
0x257: {  	v3 =	vld [tilespmem:$0xB0];
	_ =	sdelay $0x4  }
0x258: {  	v32 =	vshrl.u32 v3, $0x3  }
0x259: {  	v4 =	vmul.u32 $0x30, v32  }
0x25a: {  	v3 =	vand.u32 $0x7, v3  }
0x25b: {  	v3 =	vor.u32 v3, v4  }
0x25c: {  	v4 =	vperm.xlane v3, v0;
	_ =	sdelay $0x1  }
0x25d: {  	v4 =	vadd.s32 v1, v4;
	_ =	sdelay $0x3  }
0x25e: {  	s24 =	simm.s32 $0x16900;
	v3 =	vperm.xlane v3, v2  }
0x25f: {  	[tilespmem:s24], [sflag:$0x1] =	stream.indirect_vreg.gather [hbm4b:s7+s2], $0x80, v4, vm0, $0xb8;
	[tilespmem:$0x1B100] =	vst v63  }
0x260: {  	s25 =	simm.s32 $0x17100;
	v3 =	vadd.s32 v1, v3  }
0x261: {  	[tilespmem:s25], [sflag:$0x1] =	stream.indirect_vreg.gather [hbm4b:s8+s2], $0x80, v4, vm0, $0xb8;
	[tilespmem:$0x1B100] =	vst v63  }
0x262: {  	s26 =	simm.s32 $0x17900  }
0x263: {  	[tilespmem:s26], [sflag:$0x1] =	stream.indirect_vreg.gather [hbm4b:s9+s2], $0x80, v4, vm0, $0xb8;
	[tilespmem:$0x1B100] =	vst v63  }
0x264: {  	s28 =	simm.s32 $0x18100  }
0x265: {  	[tilespmem:s28], [sflag:$0x1] =	stream.indirect_vreg.gather [hbm4b:s7+s2], $0x80, v3, vm0, $0xb8;
	[tilespmem:$0x1B100] =	vst v63  }
0x266: {  	s29 =	simm.s32 $0x18900  }
0x267: {  	[tilespmem:s29], [sflag:$0x1] =	stream.indirect_vreg.gather [hbm4b:s8+s2], $0x80, v3, vm0, $0xb8;
	[tilespmem:$0x1B100] =	vst v63  }
0x268: {  	s0 =	simm.s32 $0x19100  }
0x269: {  	[tilespmem:s0], [sflag:$0x1] =	stream.indirect_vreg.gather [hbm4b:s9+s2], $0x80, v3, vm0, $0xb8;
	[tilespmem:$0x1B100] =	vst v63  }
0x26a: {  	v3 =	vld.msk [tilespmem:$0xC0], $0xff;
	_ =	sdelay $0x4  }
0x26b: {  	v33 =	vshrl.u32 v3, $0x3  }
0x26c: {  	v4 =	vmul.u32 $0x30, v33  }
0x26d: {  	v3 =	vand.u32 $0x7, v3  }
0x26e: {  	v3 =	vor.u32 v3, v4  }
0x26f: {  	v3 =	vperm.xlane v3, v0;
	_ =	sdelay $0x1  }
0x270: {  	v3 =	vadd.s32 v1, v3;
	_ =	sdelay $0x3  }
0x271: {  	s28 =	simm.s32 $0x19900  }
0x272: {  	[tilespmem:s28], [sflag:$0x1] =	stream.indirect_vreg.gather [hbm4b:s7+s2], $0x80, v3, vm0, $0xb8;
	[tilespmem:$0x1B100] =	vst v63  }
0x273: {  	s29 =	simm.s32 $0x1A100  }
0x274: {  	[tilespmem:s29], [sflag:$0x1] =	stream.indirect_vreg.gather [hbm4b:s8+s2], $0x80, v3, vm0, $0xb8;
	[tilespmem:$0x1B100] =	vst v63  }
0x275: {  	s0 =	simm.s32 $0x1A900  }
0x276: {  	[tilespmem:s0], [sflag:$0x1] =	stream.indirect_vreg.gather [hbm4b:s9+s2], $0x80, v3, vm0, $0xb8;
	[tilespmem:$0x1B100] =	vst v63  }
0x277: {  	_ =	swait.ge [sflag:s15], $0xD800  }
0x278: {  	[sflag:s15] =	ssyncset.done $0x0  }
0x279: {  	s0 =	rddreg [dreg:$0xc];
	[sflag:s15] =	ssyncadd.s32 $0xFFFF2800  }
0x27a: {  	[hbm4b:s0+s2] =	stream.linear.scatter [tilespmem:s10], [sflag:$0x3], $0xD800, $0x38;
	[tilespmem:$0x1B100] =	vst v63  }
0x27b: {  	_ =	swait.ge [sflag:s22], $0xD800  }
0x27c: {  	[sflag:s22] =	ssyncset.done $0x0  }
0x27d: {  	s0 =	rddreg [dreg:$0x19];
	[sflag:s22] =	ssyncadd.s32 $0xFFFF2800  }
0x27e: {  	[tilespmem:s2], [sflag:$0x4] =	stream.linear.gather [hbm4b:s0+s2], $0x48, $0x38;
	[tilespmem:$0x1B100] =	vst v63  }
0x27f: {  	_ =	swait.ge [sflag:s11], $0x48  }
0x280: {  	[sflag:s11] =	ssyncset.done $0x0  }
0x281: {  	[sflag:s11] =	ssyncadd.s32 $0xFFFFFFB8  }
0x282: {  	v3 =	vld [tilespmem:$0x0];
	_ =	sdelay $0x4  }
0x283: {  	v34 =	vshrl.u32 v3, $0x3  }
0x284: {  	v4 =	vmul.u32 $0x30, v34  }
0x285: {  	v3 =	vand.u32 $0x7, v3  }
0x286: {  	v3 =	vor.u32 v3, v4  }
0x287: {  	v4 =	vperm.xlane v3, v0;
	_ =	sdelay $0x1  }
0x288: {  	v4 =	vadd.s32 v1, v4;
	_ =	sdelay $0x3  }
0x289: {  	v3 =	vperm.xlane v3, v2  }
0x28a: {  	[tilespmem:s17], [sflag:$0x1] =	stream.indirect_vreg.gather [hbm4b:s7+s2], $0x80, v4, vm0, $0xb8;
	[tilespmem:$0x1B100] =	vst v63  }
0x28b: {  	s0 =	simm.s32 $0x900;
	v3 =	vadd.s32 v1, v3  }
0x28c: {  	[tilespmem:s0], [sflag:$0x1] =	stream.indirect_vreg.gather [hbm4b:s8+s2], $0x80, v4, vm0, $0xb8;
	[tilespmem:$0x1B100] =	vst v63  }
0x28d: {  	s0 =	simm.s32 $0x1100  }
0x28e: {  	[tilespmem:s0], [sflag:$0x1] =	stream.indirect_vreg.gather [hbm4b:s9+s2], $0x80, v4, vm0, $0xb8;
	[tilespmem:$0x1B100] =	vst v63  }
0x28f: {  	s0 =	simm.s32 $0x1900  }
0x290: {  	[tilespmem:s0], [sflag:$0x1] =	stream.indirect_vreg.gather [hbm4b:s7+s2], $0x80, v3, vm0, $0xb8;
	[tilespmem:$0x1B100] =	vst v63  }
0x291: {  	s0 =	simm.s32 $0x2100  }
0x292: {  	[tilespmem:s0], [sflag:$0x1] =	stream.indirect_vreg.gather [hbm4b:s8+s2], $0x80, v3, vm0, $0xb8;
	[tilespmem:$0x1B100] =	vst v63  }
0x293: {  	s0 =	simm.s32 $0x2900  }
0x294: {  	[tilespmem:s0], [sflag:$0x1] =	stream.indirect_vreg.gather [hbm4b:s9+s2], $0x80, v3, vm0, $0xb8;
	[tilespmem:$0x1B100] =	vst v63  }
0x295: {  	v3 =	vld [tilespmem:$0x10];
	_ =	sdelay $0x4  }
0x296: {  	v35 =	vshrl.u32 v3, $0x3  }
0x297: {  	v4 =	vmul.u32 $0x30, v35  }
0x298: {  	v3 =	vand.u32 $0x7, v3  }
0x299: {  	v3 =	vor.u32 v3, v4  }
0x29a: {  	v4 =	vperm.xlane v3, v0;
	_ =	sdelay $0x1  }
0x29b: {  	v4 =	vadd.s32 v1, v4;
	_ =	sdelay $0x3  }
0x29c: {  	s0 =	simm.s32 $0x3100;
	v3 =	vperm.xlane v3, v2  }
0x29d: {  	[tilespmem:s0], [sflag:$0x1] =	stream.indirect_vreg.gather [hbm4b:s7+s2], $0x80, v4, vm0, $0xb8;
	[tilespmem:$0x1B100] =	vst v63  }
0x29e: {  	v3 =	vadd.s32 v1, v3;
	s0 =	simm.s32 $0x3900  }
0x29f: {  	[tilespmem:s0], [sflag:$0x1] =	stream.indirect_vreg.gather [hbm4b:s8+s2], $0x80, v4, vm0, $0xb8;
	[tilespmem:$0x1B100] =	vst v63  }
0x2a0: {  	s0 =	simm.s32 $0x4100  }
0x2a1: {  	[tilespmem:s0], [sflag:$0x1] =	stream.indirect_vreg.gather [hbm4b:s9+s2], $0x80, v4, vm0, $0xb8;
	[tilespmem:$0x1B100] =	vst v63  }
0x2a2: {  	s0 =	simm.s32 $0x4900  }
0x2a3: {  	[tilespmem:s0], [sflag:$0x1] =	stream.indirect_vreg.gather [hbm4b:s7+s2], $0x80, v3, vm0, $0xb8;
	[tilespmem:$0x1B100] =	vst v63  }
0x2a4: {  	s0 =	simm.s32 $0x5100  }
0x2a5: {  	[tilespmem:s0], [sflag:$0x1] =	stream.indirect_vreg.gather [hbm4b:s8+s2], $0x80, v3, vm0, $0xb8;
	[tilespmem:$0x1B100] =	vst v63  }
0x2a6: {  	s0 =	simm.s32 $0x5900  }
0x2a7: {  	[tilespmem:s0], [sflag:$0x1] =	stream.indirect_vreg.gather [hbm4b:s9+s2], $0x80, v3, vm0, $0xb8;
	[tilespmem:$0x1B100] =	vst v63  }
0x2a8: {  	v3 =	vld [tilespmem:$0x20];
	_ =	sdelay $0x4  }
0x2a9: {  	v36 =	vshrl.u32 v3, $0x3  }
0x2aa: {  	v4 =	vmul.u32 $0x30, v36  }
0x2ab: {  	v3 =	vand.u32 $0x7, v3  }
0x2ac: {  	v3 =	vor.u32 v3, v4  }
0x2ad: {  	v4 =	vperm.xlane v3, v0;
	_ =	sdelay $0x1  }
0x2ae: {  	v4 =	vadd.s32 v1, v4;
	_ =	sdelay $0x3  }
0x2af: {  	s0 =	simm.s32 $0x6100;
	v3 =	vperm.xlane v3, v2  }
0x2b0: {  	[tilespmem:s0], [sflag:$0x1] =	stream.indirect_vreg.gather [hbm4b:s7+s2], $0x80, v4, vm0, $0xb8;
	[tilespmem:$0x1B100] =	vst v63  }
0x2b1: {  	v3 =	vadd.s32 v1, v3;
	s0 =	simm.s32 $0x6900  }
0x2b2: {  	[tilespmem:s0], [sflag:$0x1] =	stream.indirect_vreg.gather [hbm4b:s8+s2], $0x80, v4, vm0, $0xb8;
	[tilespmem:$0x1B100] =	vst v63  }
0x2b3: {  	s0 =	simm.s32 $0x7100  }
0x2b4: {  	[tilespmem:s0], [sflag:$0x1] =	stream.indirect_vreg.gather [hbm4b:s9+s2], $0x80, v4, vm0, $0xb8;
	[tilespmem:$0x1B100] =	vst v63  }
0x2b5: {  	s0 =	simm.s32 $0x7900  }
0x2b6: {  	[tilespmem:s0], [sflag:$0x1] =	stream.indirect_vreg.gather [hbm4b:s7+s2], $0x80, v3, vm0, $0xb8;
	[tilespmem:$0x1B100] =	vst v63  }
0x2b7: {  	s0 =	simm.s32 $0x8100  }
0x2b8: {  	[tilespmem:s0], [sflag:$0x1] =	stream.indirect_vreg.gather [hbm4b:s8+s2], $0x80, v3, vm0, $0xb8;
	[tilespmem:$0x1B100] =	vst v63  }
0x2b9: {  	s0 =	simm.s32 $0x8900  }
0x2ba: {  	[tilespmem:s0], [sflag:$0x1] =	stream.indirect_vreg.gather [hbm4b:s9+s2], $0x80, v3, vm0, $0xb8;
	[tilespmem:$0x1B100] =	vst v63  }
0x2bb: {  	v3 =	vld [tilespmem:$0x30];
	_ =	sdelay $0x4  }
0x2bc: {  	v37 =	vshrl.u32 v3, $0x3  }
0x2bd: {  	v4 =	vmul.u32 $0x30, v37  }
0x2be: {  	v3 =	vand.u32 $0x7, v3  }
0x2bf: {  	v3 =	vor.u32 v3, v4  }
0x2c0: {  	v4 =	vperm.xlane v3, v0;
	_ =	sdelay $0x1  }
0x2c1: {  	v4 =	vadd.s32 v1, v4;
	_ =	sdelay $0x3  }
0x2c2: {  	s0 =	simm.s32 $0x9100;
	v3 =	vperm.xlane v3, v2  }
0x2c3: {  	[tilespmem:s0], [sflag:$0x1] =	stream.indirect_vreg.gather [hbm4b:s7+s2], $0x80, v4, vm0, $0xb8;
	[tilespmem:$0x1B100] =	vst v63  }
0x2c4: {  	v3 =	vadd.s32 v1, v3;
	s0 =	simm.s32 $0x9900  }
0x2c5: {  	[tilespmem:s0], [sflag:$0x1] =	stream.indirect_vreg.gather [hbm4b:s8+s2], $0x80, v4, vm0, $0xb8;
	[tilespmem:$0x1B100] =	vst v63  }
0x2c6: {  	s0 =	simm.s32 $0xA100  }
0x2c7: {  	[tilespmem:s0], [sflag:$0x1] =	stream.indirect_vreg.gather [hbm4b:s9+s2], $0x80, v4, vm0, $0xb8;
	[tilespmem:$0x1B100] =	vst v63  }
0x2c8: {  	s0 =	simm.s32 $0xA900  }
0x2c9: {  	[tilespmem:s0], [sflag:$0x1] =	stream.indirect_vreg.gather [hbm4b:s7+s2], $0x80, v3, vm0, $0xb8;
	[tilespmem:$0x1B100] =	vst v63  }
0x2ca: {  	s0 =	simm.s32 $0xB100  }
0x2cb: {  	[tilespmem:s0], [sflag:$0x1] =	stream.indirect_vreg.gather [hbm4b:s8+s2], $0x80, v3, vm0, $0xb8;
	[tilespmem:$0x1B100] =	vst v63  }
0x2cc: {  	s0 =	simm.s32 $0xB900  }
0x2cd: {  	[tilespmem:s0], [sflag:$0x1] =	stream.indirect_vreg.gather [hbm4b:s9+s2], $0x80, v3, vm0, $0xb8;
	[tilespmem:$0x1B100] =	vst v63  }
0x2ce: {  	v3 =	vld.msk [tilespmem:$0x40], $0xff;
	_ =	sdelay $0x4  }
0x2cf: {  	v38 =	vshrl.u32 v3, $0x3  }
0x2d0: {  	v4 =	vmul.u32 $0x30, v38  }
0x2d1: {  	v3 =	vand.u32 $0x7, v3  }
0x2d2: {  	v3 =	vor.u32 v3, v4  }
0x2d3: {  	v3 =	vperm.xlane v3, v0;
	_ =	sdelay $0x1  }
0x2d4: {  	v3 =	vadd.s32 v1, v3;
	_ =	sdelay $0x3  }
0x2d5: {  	s0 =	simm.s32 $0xC100  }
0x2d6: {  	[tilespmem:s0], [sflag:$0x1] =	stream.indirect_vreg.gather [hbm4b:s7+s2], $0x80, v3, vm0, $0xb8;
	[tilespmem:$0x1B100] =	vst v63  }
0x2d7: {  	s0 =	simm.s32 $0xC900  }
0x2d8: {  	[tilespmem:s0], [sflag:$0x1] =	stream.indirect_vreg.gather [hbm4b:s8+s2], $0x80, v3, vm0, $0xb8;
	[tilespmem:$0x1B100] =	vst v63  }
0x2d9: {  	s0 =	simm.s32 $0xD100  }
0x2da: {  	[tilespmem:s0], [sflag:$0x1] =	stream.indirect_vreg.gather [hbm4b:s9+s2], $0x80, v3, vm0, $0xb8;
	[tilespmem:$0x1B100] =	vst v63  }
0x2db: {  	_ =	swait.ge [sflag:s15], $0xD800  }
0x2dc: {  	[sflag:s15] =	ssyncset.done $0x0  }
0x2dd: {  	s0 =	rddreg [dreg:$0x1a];
	[sflag:s15] =	ssyncadd.s32 $0xFFFF2800  }
0x2de: {  	[hbm4b:s0+s2] =	stream.linear.scatter [tilespmem:s17], [sflag:$0x2], $0xD800, $0x38;
	[tilespmem:$0x1B100] =	vst v63  }
0x2df: {  	_ =	swait.ge [sflag:s23], $0xD800  }
0x2e0: {  	[sflag:s23] =	ssyncset.done $0x0  }
0x2e1: {  	s0 =	simm.s32 $0x80;
	s24 =	rddreg [dreg:$0xd];
	[sflag:s23] =	ssyncadd.s32 $0xFFFF2800  }
0x2e2: {  	[tilespmem:s0], [sflag:$0x4] =	stream.linear.gather [hbm4b:s24+s2], $0x48, $0x38;
	[tilespmem:$0x1B100] =	vst v63  }
0x2e3: {  	_ =	swait.ge [sflag:s11], $0x48  }
0x2e4: {  	[sflag:s11] =	ssyncset.done $0x0  }
0x2e5: {  	[sflag:s11] =	ssyncadd.s32 $0xFFFFFFB8  }
0x2e6: {  	v3 =	vld [tilespmem:$0x80];
	_ =	sdelay $0x4  }
0x2e7: {  	v39 =	vshrl.u32 v3, $0x3  }
0x2e8: {  	v4 =	vmul.u32 $0x30, v39  }
0x2e9: {  	v3 =	vand.u32 $0x7, v3  }
0x2ea: {  	v3 =	vor.u32 v3, v4  }
0x2eb: {  	v4 =	vperm.xlane v3, v0;
	_ =	sdelay $0x1  }
0x2ec: {  	v4 =	vadd.s32 v1, v4;
	_ =	sdelay $0x3  }
0x2ed: {  	v3 =	vperm.xlane v3, v2  }
0x2ee: {  	[tilespmem:s10], [sflag:$0x1] =	stream.indirect_vreg.gather [hbm4b:s7+s2], $0x80, v4, vm0, $0xb8;
	[tilespmem:$0x1B100] =	vst v63  }
0x2ef: {  	s24 =	simm.s32 $0xE100;
	v3 =	vadd.s32 v1, v3  }
0x2f0: {  	[tilespmem:s24], [sflag:$0x1] =	stream.indirect_vreg.gather [hbm4b:s8+s2], $0x80, v4, vm0, $0xb8;
	[tilespmem:$0x1B100] =	vst v63  }
0x2f1: {  	s1 =	simm.s32 $0xE900  }
0x2f2: {  	[tilespmem:s1], [sflag:$0x1] =	stream.indirect_vreg.gather [hbm4b:s9+s2], $0x80, v4, vm0, $0xb8;
	[tilespmem:$0x1B100] =	vst v63  }
0x2f3: {  	s3 =	simm.s32 $0xF100  }
0x2f4: {  	[tilespmem:s3], [sflag:$0x1] =	stream.indirect_vreg.gather [hbm4b:s7+s2], $0x80, v3, vm0, $0xb8;
	[tilespmem:$0x1B100] =	vst v63  }
0x2f5: {  	s4 =	simm.s32 $0xF900  }
0x2f6: {  	[tilespmem:s4], [sflag:$0x1] =	stream.indirect_vreg.gather [hbm4b:s8+s2], $0x80, v3, vm0, $0xb8;
	[tilespmem:$0x1B100] =	vst v63  }
0x2f7: {  	s30 =	simm.s32 $0x10100  }
0x2f8: {  	[tilespmem:s30], [sflag:$0x1] =	stream.indirect_vreg.gather [hbm4b:s9+s2], $0x80, v3, vm0, $0xb8;
	[tilespmem:$0x1B100] =	vst v63  }
0x2f9: {  	v3 =	vld [tilespmem:$0x90];
	_ =	sdelay $0x4  }
0x2fa: {  	v40 =	vshrl.u32 v3, $0x3  }
0x2fb: {  	v4 =	vmul.u32 $0x30, v40  }
0x2fc: {  	v3 =	vand.u32 $0x7, v3  }
0x2fd: {  	v3 =	vor.u32 v3, v4  }
0x2fe: {  	v4 =	vperm.xlane v3, v0;
	_ =	sdelay $0x1  }
0x2ff: {  	v4 =	vadd.s32 v1, v4;
	_ =	sdelay $0x3  }
0x300: {  	s31 =	simm.s32 $0x10900;
	v3 =	vperm.xlane v3, v2  }
0x301: {  	[tilespmem:s31], [sflag:$0x1] =	stream.indirect_vreg.gather [hbm4b:s7+s2], $0x80, v4, vm0, $0xb8;
	[tilespmem:$0x1B100] =	vst v63  }
0x302: {  	s5 =	simm.s32 $0x11100;
	v3 =	vadd.s32 v1, v3  }
0x303: {  	[tilespmem:s5], [sflag:$0x1] =	stream.indirect_vreg.gather [hbm4b:s8+s2], $0x80, v4, vm0, $0xb8;
	[tilespmem:$0x1B100] =	vst v63  }
0x304: {  	s6 =	simm.s32 $0x11900  }
0x305: {  	[tilespmem:s6], [sflag:$0x1] =	stream.indirect_vreg.gather [hbm4b:s9+s2], $0x80, v4, vm0, $0xb8;
	[tilespmem:$0x1B100] =	vst v63  }
0x306: {  	s12 =	simm.s32 $0x12100  }
0x307: {  	[tilespmem:s12], [sflag:$0x1] =	stream.indirect_vreg.gather [hbm4b:s7+s2], $0x80, v3, vm0, $0xb8;
	[tilespmem:$0x1B100] =	vst v63  }
0x308: {  	s13 =	simm.s32 $0x12900  }
0x309: {  	[tilespmem:s13], [sflag:$0x1] =	stream.indirect_vreg.gather [hbm4b:s8+s2], $0x80, v3, vm0, $0xb8;
	[tilespmem:$0x1B100] =	vst v63  }
0x30a: {  	s24 =	simm.s32 $0x13100  }
0x30b: {  	[tilespmem:s24], [sflag:$0x1] =	stream.indirect_vreg.gather [hbm4b:s9+s2], $0x80, v3, vm0, $0xb8;
	[tilespmem:$0x1B100] =	vst v63  }
0x30c: {  	v3 =	vld [tilespmem:$0xA0];
	_ =	sdelay $0x4  }
0x30d: {  	v41 =	vshrl.u32 v3, $0x3  }
0x30e: {  	v4 =	vmul.u32 $0x30, v41  }
0x30f: {  	v3 =	vand.u32 $0x7, v3  }
0x310: {  	v3 =	vor.u32 v3, v4  }
0x311: {  	v4 =	vperm.xlane v3, v0;
	_ =	sdelay $0x1  }
0x312: {  	v4 =	vadd.s32 v1, v4;
	_ =	sdelay $0x3  }
0x313: {  	s3 =	simm.s32 $0x13900;
	v3 =	vperm.xlane v3, v2  }
0x314: {  	[tilespmem:s3], [sflag:$0x1] =	stream.indirect_vreg.gather [hbm4b:s7+s2], $0x80, v4, vm0, $0xb8;
	[tilespmem:$0x1B100] =	vst v63  }
0x315: {  	s14 =	simm.s32 $0x14100;
	v3 =	vadd.s32 v1, v3  }
0x316: {  	[tilespmem:s14], [sflag:$0x1] =	stream.indirect_vreg.gather [hbm4b:s8+s2], $0x80, v4, vm0, $0xb8;
	[tilespmem:$0x1B100] =	vst v63  }
0x317: {  	s16 =	simm.s32 $0x14900  }
0x318: {  	[tilespmem:s16], [sflag:$0x1] =	stream.indirect_vreg.gather [hbm4b:s9+s2], $0x80, v4, vm0, $0xb8;
	[tilespmem:$0x1B100] =	vst v63  }
0x319: {  	s18 =	simm.s32 $0x15100  }
0x31a: {  	[tilespmem:s18], [sflag:$0x1] =	stream.indirect_vreg.gather [hbm4b:s7+s2], $0x80, v3, vm0, $0xb8;
	[tilespmem:$0x1B100] =	vst v63  }
0x31b: {  	s19 =	simm.s32 $0x15900  }
0x31c: {  	[tilespmem:s19], [sflag:$0x1] =	stream.indirect_vreg.gather [hbm4b:s8+s2], $0x80, v3, vm0, $0xb8;
	[tilespmem:$0x1B100] =	vst v63  }
0x31d: {  	s4 =	simm.s32 $0x16100  }
0x31e: {  	[tilespmem:s4], [sflag:$0x1] =	stream.indirect_vreg.gather [hbm4b:s9+s2], $0x80, v3, vm0, $0xb8;
	[tilespmem:$0x1B100] =	vst v63  }
0x31f: {  	v3 =	vld [tilespmem:$0xB0];
	_ =	sdelay $0x4  }
0x320: {  	v42 =	vshrl.u32 v3, $0x3  }
0x321: {  	v4 =	vmul.u32 $0x30, v42  }
0x322: {  	v3 =	vand.u32 $0x7, v3  }
0x323: {  	v3 =	vor.u32 v3, v4  }
0x324: {  	v4 =	vperm.xlane v3, v0;
	_ =	sdelay $0x1  }
0x325: {  	v4 =	vadd.s32 v1, v4;
	_ =	sdelay $0x3  }
0x326: {  	s5 =	simm.s32 $0x16900;
	v3 =	vperm.xlane v3, v2  }
0x327: {  	[tilespmem:s5], [sflag:$0x1] =	stream.indirect_vreg.gather [hbm4b:s7+s2], $0x80, v4, vm0, $0xb8;
	[tilespmem:$0x1B100] =	vst v63  }
0x328: {  	s20 =	simm.s32 $0x17100;
	v3 =	vadd.s32 v1, v3  }
0x329: {  	[tilespmem:s20], [sflag:$0x1] =	stream.indirect_vreg.gather [hbm4b:s8+s2], $0x80, v4, vm0, $0xb8;
	[tilespmem:$0x1B100] =	vst v63  }
0x32a: {  	s21 =	simm.s32 $0x17900  }
0x32b: {  	[tilespmem:s21], [sflag:$0x1] =	stream.indirect_vreg.gather [hbm4b:s9+s2], $0x80, v4, vm0, $0xb8;
	[tilespmem:$0x1B100] =	vst v63  }
0x32c: {  	s25 =	simm.s32 $0x18100  }
0x32d: {  	[tilespmem:s25], [sflag:$0x1] =	stream.indirect_vreg.gather [hbm4b:s7+s2], $0x80, v3, vm0, $0xb8;
	[tilespmem:$0x1B100] =	vst v63  }
0x32e: {  	s26 =	simm.s32 $0x18900  }
0x32f: {  	[tilespmem:s26], [sflag:$0x1] =	stream.indirect_vreg.gather [hbm4b:s8+s2], $0x80, v3, vm0, $0xb8;
	[tilespmem:$0x1B100] =	vst v63  }
0x330: {  	s6 =	simm.s32 $0x19100  }
0x331: {  	[tilespmem:s6], [sflag:$0x1] =	stream.indirect_vreg.gather [hbm4b:s9+s2], $0x80, v3, vm0, $0xb8;
	[tilespmem:$0x1B100] =	vst v63  }
0x332: {  	v3 =	vld.msk [tilespmem:$0xC0], $0xff;
	_ =	sdelay $0x4  }
0x333: {  	v43 =	vshrl.u32 v3, $0x3  }
0x334: {  	v4 =	vmul.u32 $0x30, v43  }
0x335: {  	v3 =	vand.u32 $0x7, v3  }
0x336: {  	v3 =	vor.u32 v3, v4  }
0x337: {  	v3 =	vperm.xlane v3, v0;
	_ =	sdelay $0x1  }
0x338: {  	v3 =	vadd.s32 v1, v3;
	_ =	sdelay $0x3  }
0x339: {  	s28 =	simm.s32 $0x19900  }
0x33a: {  	[tilespmem:s28], [sflag:$0x1] =	stream.indirect_vreg.gather [hbm4b:s7+s2], $0x80, v3, vm0, $0xb8;
	[tilespmem:$0x1B100] =	vst v63  }
0x33b: {  	s29 =	simm.s32 $0x1A100  }
0x33c: {  	[tilespmem:s29], [sflag:$0x1] =	stream.indirect_vreg.gather [hbm4b:s8+s2], $0x80, v3, vm0, $0xb8;
	[tilespmem:$0x1B100] =	vst v63  }
0x33d: {  	s24 =	simm.s32 $0x1A900  }
0x33e: {  	[tilespmem:s24], [sflag:$0x1] =	stream.indirect_vreg.gather [hbm4b:s9+s2], $0x80, v3, vm0, $0xb8;
	[tilespmem:$0x1B100] =	vst v63  }
0x33f: {  	_ =	swait.ge [sflag:s15], $0xD800  }
0x340: {  	[sflag:s15] =	ssyncset.done $0x0  }
0x341: {  	s3 =	rddreg [dreg:$0xe];
	[sflag:s15] =	ssyncadd.s32 $0xFFFF2800  }
0x342: {  	[hbm4b:s3+s2] =	stream.linear.scatter [tilespmem:s10], [sflag:$0x3], $0xD800, $0x38;
	[tilespmem:$0x1B100] =	vst v63  }
0x343: {  	_ =	swait.ge [sflag:s22], $0xD800  }
0x344: {  	[sflag:s22] =	ssyncset.done $0x0  }
0x345: {  	s4 =	rddreg [dreg:$0xf];
	[sflag:s22] =	ssyncadd.s32 $0xFFFF2800  }
0x346: {  	[tilespmem:s2], [sflag:$0x4] =	stream.linear.gather [hbm4b:s4+s2], $0x48, $0x38;
	[tilespmem:$0x1B100] =	vst v63  }
0x347: {  	_ =	swait.ge [sflag:s11], $0x48  }
0x348: {  	[sflag:s11] =	ssyncset.done $0x0  }
0x349: {  	[sflag:s11] =	ssyncadd.s32 $0xFFFFFFB8  }
0x34a: {  	v3 =	vld [tilespmem:$0x0];
	_ =	sdelay $0x4  }
0x34b: {  	v44 =	vshrl.u32 v3, $0x3  }
0x34c: {  	v4 =	vmul.u32 $0x30, v44  }
0x34d: {  	v3 =	vand.u32 $0x7, v3  }
0x34e: {  	v3 =	vor.u32 v3, v4  }
0x34f: {  	v4 =	vperm.xlane v3, v0;
	_ =	sdelay $0x1  }
0x350: {  	v4 =	vadd.s32 v1, v4;
	_ =	sdelay $0x3  }
0x351: {  	v3 =	vperm.xlane v3, v2  }
0x352: {  	[tilespmem:s17], [sflag:$0x1] =	stream.indirect_vreg.gather [hbm4b:s7+s2], $0x80, v4, vm0, $0xb8;
	[tilespmem:$0x1B100] =	vst v63  }
0x353: {  	s5 =	simm.s32 $0x900;
	v3 =	vadd.s32 v1, v3  }
0x354: {  	[tilespmem:s5], [sflag:$0x1] =	stream.indirect_vreg.gather [hbm4b:s8+s2], $0x80, v4, vm0, $0xb8;
	[tilespmem:$0x1B100] =	vst v63  }
0x355: {  	s6 =	simm.s32 $0x1100  }
0x356: {  	[tilespmem:s6], [sflag:$0x1] =	stream.indirect_vreg.gather [hbm4b:s9+s2], $0x80, v4, vm0, $0xb8;
	[tilespmem:$0x1B100] =	vst v63  }
0x357: {  	s24 =	simm.s32 $0x1900  }
0x358: {  	[tilespmem:s24], [sflag:$0x1] =	stream.indirect_vreg.gather [hbm4b:s7+s2], $0x80, v3, vm0, $0xb8;
	[tilespmem:$0x1B100] =	vst v63  }
0x359: {  	s3 =	simm.s32 $0x2100  }
0x35a: {  	[tilespmem:s3], [sflag:$0x1] =	stream.indirect_vreg.gather [hbm4b:s8+s2], $0x80, v3, vm0, $0xb8;
	[tilespmem:$0x1B100] =	vst v63  }
0x35b: {  	s4 =	simm.s32 $0x2900  }
0x35c: {  	[tilespmem:s4], [sflag:$0x1] =	stream.indirect_vreg.gather [hbm4b:s9+s2], $0x80, v3, vm0, $0xb8;
	[tilespmem:$0x1B100] =	vst v63  }
0x35d: {  	v3 =	vld [tilespmem:$0x10];
	_ =	sdelay $0x4  }
0x35e: {  	v45 =	vshrl.u32 v3, $0x3  }
0x35f: {  	v4 =	vmul.u32 $0x30, v45  }
0x360: {  	v3 =	vand.u32 $0x7, v3  }
0x361: {  	v3 =	vor.u32 v3, v4  }
0x362: {  	v4 =	vperm.xlane v3, v0;
	_ =	sdelay $0x1  }
0x363: {  	v4 =	vadd.s32 v1, v4;
	_ =	sdelay $0x3  }
0x364: {  	s5 =	simm.s32 $0x3100;
	v3 =	vperm.xlane v3, v2  }
0x365: {  	[tilespmem:s5], [sflag:$0x1] =	stream.indirect_vreg.gather [hbm4b:s7+s2], $0x80, v4, vm0, $0xb8;
	[tilespmem:$0x1B100] =	vst v63  }
0x366: {  	s6 =	simm.s32 $0x3900;
	v3 =	vadd.s32 v1, v3  }
0x367: {  	[tilespmem:s6], [sflag:$0x1] =	stream.indirect_vreg.gather [hbm4b:s8+s2], $0x80, v4, vm0, $0xb8;
	[tilespmem:$0x1B100] =	vst v63  }
0x368: {  	s24 =	simm.s32 $0x4100  }
0x369: {  	[tilespmem:s24], [sflag:$0x1] =	stream.indirect_vreg.gather [hbm4b:s9+s2], $0x80, v4, vm0, $0xb8;
	[tilespmem:$0x1B100] =	vst v63  }
0x36a: {  	s3 =	simm.s32 $0x4900  }
0x36b: {  	[tilespmem:s3], [sflag:$0x1] =	stream.indirect_vreg.gather [hbm4b:s7+s2], $0x80, v3, vm0, $0xb8;
	[tilespmem:$0x1B100] =	vst v63  }
0x36c: {  	s4 =	simm.s32 $0x5100  }
0x36d: {  	[tilespmem:s4], [sflag:$0x1] =	stream.indirect_vreg.gather [hbm4b:s8+s2], $0x80, v3, vm0, $0xb8;
	[tilespmem:$0x1B100] =	vst v63  }
0x36e: {  	s5 =	simm.s32 $0x5900  }
0x36f: {  	[tilespmem:s5], [sflag:$0x1] =	stream.indirect_vreg.gather [hbm4b:s9+s2], $0x80, v3, vm0, $0xb8;
	[tilespmem:$0x1B100] =	vst v63  }
0x370: {  	v3 =	vld [tilespmem:$0x20];
	_ =	sdelay $0x4  }
0x371: {  	v46 =	vshrl.u32 v3, $0x3  }
0x372: {  	v4 =	vmul.u32 $0x30, v46  }
0x373: {  	v3 =	vand.u32 $0x7, v3  }
0x374: {  	v3 =	vor.u32 v3, v4  }
0x375: {  	v4 =	vperm.xlane v3, v0;
	_ =	sdelay $0x1  }
0x376: {  	v4 =	vadd.s32 v1, v4;
	_ =	sdelay $0x3  }
0x377: {  	s6 =	simm.s32 $0x6100;
	v3 =	vperm.xlane v3, v2  }
0x378: {  	[tilespmem:s6], [sflag:$0x1] =	stream.indirect_vreg.gather [hbm4b:s7+s2], $0x80, v4, vm0, $0xb8;
	[tilespmem:$0x1B100] =	vst v63  }
0x379: {  	s24 =	simm.s32 $0x6900;
	v3 =	vadd.s32 v1, v3  }
0x37a: {  	[tilespmem:s24], [sflag:$0x1] =	stream.indirect_vreg.gather [hbm4b:s8+s2], $0x80, v4, vm0, $0xb8;
	[tilespmem:$0x1B100] =	vst v63  }
0x37b: {  	s3 =	simm.s32 $0x7100  }
0x37c: {  	[tilespmem:s3], [sflag:$0x1] =	stream.indirect_vreg.gather [hbm4b:s9+s2], $0x80, v4, vm0, $0xb8;
	[tilespmem:$0x1B100] =	vst v63  }
0x37d: {  	s4 =	simm.s32 $0x7900  }
0x37e: {  	[tilespmem:s4], [sflag:$0x1] =	stream.indirect_vreg.gather [hbm4b:s7+s2], $0x80, v3, vm0, $0xb8;
	[tilespmem:$0x1B100] =	vst v63  }
0x37f: {  	s5 =	simm.s32 $0x8100  }
0x380: {  	[tilespmem:s5], [sflag:$0x1] =	stream.indirect_vreg.gather [hbm4b:s8+s2], $0x80, v3, vm0, $0xb8;
	[tilespmem:$0x1B100] =	vst v63  }
0x381: {  	s6 =	simm.s32 $0x8900  }
0x382: {  	[tilespmem:s6], [sflag:$0x1] =	stream.indirect_vreg.gather [hbm4b:s9+s2], $0x80, v3, vm0, $0xb8;
	[tilespmem:$0x1B100] =	vst v63  }
0x383: {  	v3 =	vld [tilespmem:$0x30];
	_ =	sdelay $0x4  }
0x384: {  	v47 =	vshrl.u32 v3, $0x3  }
0x385: {  	v4 =	vmul.u32 $0x30, v47  }
0x386: {  	v3 =	vand.u32 $0x7, v3  }
0x387: {  	v3 =	vor.u32 v3, v4  }
0x388: {  	v4 =	vperm.xlane v3, v0;
	_ =	sdelay $0x1  }
0x389: {  	v4 =	vadd.s32 v1, v4;
	_ =	sdelay $0x3  }
0x38a: {  	s24 =	simm.s32 $0x9100;
	v3 =	vperm.xlane v3, v2  }
0x38b: {  	[tilespmem:s24], [sflag:$0x1] =	stream.indirect_vreg.gather [hbm4b:s7+s2], $0x80, v4, vm0, $0xb8;
	[tilespmem:$0x1B100] =	vst v63  }
0x38c: {  	s3 =	simm.s32 $0x9900;
	v3 =	vadd.s32 v1, v3  }
0x38d: {  	[tilespmem:s3], [sflag:$0x1] =	stream.indirect_vreg.gather [hbm4b:s8+s2], $0x80, v4, vm0, $0xb8;
	[tilespmem:$0x1B100] =	vst v63  }
0x38e: {  	s4 =	simm.s32 $0xA100  }
0x38f: {  	[tilespmem:s4], [sflag:$0x1] =	stream.indirect_vreg.gather [hbm4b:s9+s2], $0x80, v4, vm0, $0xb8;
	[tilespmem:$0x1B100] =	vst v63  }
0x390: {  	s5 =	simm.s32 $0xA900  }
0x391: {  	[tilespmem:s5], [sflag:$0x1] =	stream.indirect_vreg.gather [hbm4b:s7+s2], $0x80, v3, vm0, $0xb8;
	[tilespmem:$0x1B100] =	vst v63  }
0x392: {  	s6 =	simm.s32 $0xB100  }
0x393: {  	[tilespmem:s6], [sflag:$0x1] =	stream.indirect_vreg.gather [hbm4b:s8+s2], $0x80, v3, vm0, $0xb8;
	[tilespmem:$0x1B100] =	vst v63  }
0x394: {  	s24 =	simm.s32 $0xB900  }
0x395: {  	[tilespmem:s24], [sflag:$0x1] =	stream.indirect_vreg.gather [hbm4b:s9+s2], $0x80, v3, vm0, $0xb8;
	[tilespmem:$0x1B100] =	vst v63  }
0x396: {  	v3 =	vld.msk [tilespmem:$0x40], $0xff;
	_ =	sdelay $0x4  }
0x397: {  	v48 =	vshrl.u32 v3, $0x3  }
0x398: {  	v4 =	vmul.u32 $0x30, v48  }
0x399: {  	v3 =	vand.u32 $0x7, v3  }
0x39a: {  	v3 =	vor.u32 v3, v4  }
0x39b: {  	v3 =	vperm.xlane v3, v0;
	_ =	sdelay $0x1  }
0x39c: {  	v3 =	vadd.s32 v1, v3;
	_ =	sdelay $0x3  }
0x39d: {  	s3 =	simm.s32 $0xC100  }
0x39e: {  	[tilespmem:s3], [sflag:$0x1] =	stream.indirect_vreg.gather [hbm4b:s7+s2], $0x80, v3, vm0, $0xb8;
	[tilespmem:$0x1B100] =	vst v63  }
0x39f: {  	s4 =	simm.s32 $0xC900  }
0x3a0: {  	[tilespmem:s4], [sflag:$0x1] =	stream.indirect_vreg.gather [hbm4b:s8+s2], $0x80, v3, vm0, $0xb8;
	[tilespmem:$0x1B100] =	vst v63  }
0x3a1: {  	s5 =	simm.s32 $0xD100  }
0x3a2: {  	[tilespmem:s5], [sflag:$0x1] =	stream.indirect_vreg.gather [hbm4b:s9+s2], $0x80, v3, vm0, $0xb8;
	[tilespmem:$0x1B100] =	vst v63  }
0x3a3: {  	_ =	swait.ge [sflag:s15], $0xD800  }
0x3a4: {  	[sflag:s15] =	ssyncset.done $0x0  }
0x3a5: {  	s6 =	rddreg [dreg:$0x10];
	[sflag:s15] =	ssyncadd.s32 $0xFFFF2800  }
0x3a6: {  	[hbm4b:s6+s2] =	stream.linear.scatter [tilespmem:s17], [sflag:$0x2], $0xD800, $0x38;
	[tilespmem:$0x1B100] =	vst v63  }
0x3a7: {  	_ =	swait.ge [sflag:s23], $0xD800  }
0x3a8: {  	[sflag:s23] =	ssyncset.done $0x0  }
0x3a9: {  	s3 =	simm.s32 $0x80;
	s1 =	rddreg [dreg:$0x11];
	[sflag:s23] =	ssyncadd.s32 $0xFFFF2800  }
0x3aa: {  	[tilespmem:s3], [sflag:$0x4] =	stream.linear.gather [hbm4b:s1+s2], $0x48, $0x38;
	[tilespmem:$0x1B100] =	vst v63  }
0x3ab: {  	_ =	swait.ge [sflag:s11], $0x48  }
0x3ac: {  	[sflag:s11] =	ssyncset.done $0x0  }
0x3ad: {  	[sflag:s11] =	ssyncadd.s32 $0xFFFFFFB8  }
0x3ae: {  	v3 =	vld [tilespmem:$0x80];
	_ =	sdelay $0x4  }
0x3af: {  	v49 =	vshrl.u32 v3, $0x3  }
0x3b0: {  	v4 =	vmul.u32 $0x30, v49  }
0x3b1: {  	v3 =	vand.u32 $0x7, v3  }
0x3b2: {  	v3 =	vor.u32 v3, v4  }
0x3b3: {  	v4 =	vperm.xlane v3, v0;
	_ =	sdelay $0x1  }
0x3b4: {  	v4 =	vadd.s32 v1, v4;
	_ =	sdelay $0x3  }
0x3b5: {  	v3 =	vperm.xlane v3, v2  }
0x3b6: {  	[tilespmem:s10], [sflag:$0x1] =	stream.indirect_vreg.gather [hbm4b:s7+s2], $0x80, v4, vm0, $0xb8;
	[tilespmem:$0x1B100] =	vst v63  }
0x3b7: {  	s0 =	simm.s32 $0xE100;
	v3 =	vadd.s32 v1, v3  }
0x3b8: {  	[tilespmem:s0], [sflag:$0x1] =	stream.indirect_vreg.gather [hbm4b:s8+s2], $0x80, v4, vm0, $0xb8;
	[tilespmem:$0x1B100] =	vst v63  }
0x3b9: {  	s4 =	simm.s32 $0xE900  }
0x3ba: {  	[tilespmem:s4], [sflag:$0x1] =	stream.indirect_vreg.gather [hbm4b:s9+s2], $0x80, v4, vm0, $0xb8;
	[tilespmem:$0x1B100] =	vst v63  }
0x3bb: {  	s5 =	simm.s32 $0xF100  }
0x3bc: {  	[tilespmem:s5], [sflag:$0x1] =	stream.indirect_vreg.gather [hbm4b:s7+s2], $0x80, v3, vm0, $0xb8;
	[tilespmem:$0x1B100] =	vst v63  }
0x3bd: {  	s6 =	simm.s32 $0xF900  }
0x3be: {  	[tilespmem:s6], [sflag:$0x1] =	stream.indirect_vreg.gather [hbm4b:s8+s2], $0x80, v3, vm0, $0xb8;
	[tilespmem:$0x1B100] =	vst v63  }
0x3bf: {  	s24 =	simm.s32 $0x10100  }
0x3c0: {  	[tilespmem:s24], [sflag:$0x1] =	stream.indirect_vreg.gather [hbm4b:s9+s2], $0x80, v3, vm0, $0xb8;
	[tilespmem:$0x1B100] =	vst v63  }
0x3c1: {  	v3 =	vld [tilespmem:$0x90];
	_ =	sdelay $0x4  }
0x3c2: {  	v50 =	vshrl.u32 v3, $0x3  }
0x3c3: {  	v4 =	vmul.u32 $0x30, v50  }
0x3c4: {  	v3 =	vand.u32 $0x7, v3  }
0x3c5: {  	v3 =	vor.u32 v3, v4  }
0x3c6: {  	v4 =	vperm.xlane v3, v0;
	_ =	sdelay $0x1  }
0x3c7: {  	v4 =	vadd.s32 v1, v4;
	_ =	sdelay $0x3  }
0x3c8: {  	s6 =	simm.s32 $0x10900;
	v3 =	vperm.xlane v3, v2  }
0x3c9: {  	[tilespmem:s6], [sflag:$0x1] =	stream.indirect_vreg.gather [hbm4b:s7+s2], $0x80, v4, vm0, $0xb8;
	[tilespmem:$0x1B100] =	vst v63  }
0x3ca: {  	s30 =	simm.s32 $0x11100;
	v3 =	vadd.s32 v1, v3  }
0x3cb: {  	[tilespmem:s30], [sflag:$0x1] =	stream.indirect_vreg.gather [hbm4b:s8+s2], $0x80, v4, vm0, $0xb8;
	[tilespmem:$0x1B100] =	vst v63  }
0x3cc: {  	s31 =	simm.s32 $0x11900  }
0x3cd: {  	[tilespmem:s31], [sflag:$0x1] =	stream.indirect_vreg.gather [hbm4b:s9+s2], $0x80, v4, vm0, $0xb8;
	[tilespmem:$0x1B100] =	vst v63  }
0x3ce: {  	s12 =	simm.s32 $0x12100  }
0x3cf: {  	[tilespmem:s12], [sflag:$0x1] =	stream.indirect_vreg.gather [hbm4b:s7+s2], $0x80, v3, vm0, $0xb8;
	[tilespmem:$0x1B100] =	vst v63  }
0x3d0: {  	s13 =	simm.s32 $0x12900  }
0x3d1: {  	[tilespmem:s13], [sflag:$0x1] =	stream.indirect_vreg.gather [hbm4b:s8+s2], $0x80, v3, vm0, $0xb8;
	[tilespmem:$0x1B100] =	vst v63  }
0x3d2: {  	s24 =	simm.s32 $0x13100  }
0x3d3: {  	[tilespmem:s24], [sflag:$0x1] =	stream.indirect_vreg.gather [hbm4b:s9+s2], $0x80, v3, vm0, $0xb8;
	[tilespmem:$0x1B100] =	vst v63  }
0x3d4: {  	v3 =	vld [tilespmem:$0xA0];
	_ =	sdelay $0x4  }
0x3d5: {  	v51 =	vshrl.u32 v3, $0x3  }
0x3d6: {  	v4 =	vmul.u32 $0x30, v51  }
0x3d7: {  	v3 =	vand.u32 $0x7, v3  }
0x3d8: {  	v3 =	vor.u32 v3, v4  }
0x3d9: {  	v4 =	vperm.xlane v3, v0;
	_ =	sdelay $0x1  }
0x3da: {  	v4 =	vadd.s32 v1, v4;
	_ =	sdelay $0x3  }
0x3db: {  	s13 =	simm.s32 $0x13900;
	v3 =	vperm.xlane v3, v2  }
0x3dc: {  	[tilespmem:s13], [sflag:$0x1] =	stream.indirect_vreg.gather [hbm4b:s7+s2], $0x80, v4, vm0, $0xb8;
	[tilespmem:$0x1B100] =	vst v63  }
0x3dd: {  	s14 =	simm.s32 $0x14100;
	v3 =	vadd.s32 v1, v3  }
0x3de: {  	[tilespmem:s14], [sflag:$0x1] =	stream.indirect_vreg.gather [hbm4b:s8+s2], $0x80, v4, vm0, $0xb8;
	[tilespmem:$0x1B100] =	vst v63  }
0x3df: {  	s16 =	simm.s32 $0x14900  }
0x3e0: {  	[tilespmem:s16], [sflag:$0x1] =	stream.indirect_vreg.gather [hbm4b:s9+s2], $0x80, v4, vm0, $0xb8;
	[tilespmem:$0x1B100] =	vst v63  }
0x3e1: {  	s18 =	simm.s32 $0x15100  }
0x3e2: {  	[tilespmem:s18], [sflag:$0x1] =	stream.indirect_vreg.gather [hbm4b:s7+s2], $0x80, v3, vm0, $0xb8;
	[tilespmem:$0x1B100] =	vst v63  }
0x3e3: {  	s19 =	simm.s32 $0x15900  }
0x3e4: {  	[tilespmem:s19], [sflag:$0x1] =	stream.indirect_vreg.gather [hbm4b:s8+s2], $0x80, v3, vm0, $0xb8;
	[tilespmem:$0x1B100] =	vst v63  }
0x3e5: {  	s19 =	simm.s32 $0x16100  }
0x3e6: {  	[tilespmem:s19], [sflag:$0x1] =	stream.indirect_vreg.gather [hbm4b:s9+s2], $0x80, v3, vm0, $0xb8;
	[tilespmem:$0x1B100] =	vst v63  }
0x3e7: {  	v3 =	vld [tilespmem:$0xB0];
	_ =	sdelay $0x4  }
0x3e8: {  	v52 =	vshrl.u32 v3, $0x3  }
0x3e9: {  	v4 =	vmul.u32 $0x30, v52  }
0x3ea: {  	v3 =	vand.u32 $0x7, v3  }
0x3eb: {  	v3 =	vor.u32 v3, v4  }
0x3ec: {  	v4 =	vperm.xlane v3, v0;
	_ =	sdelay $0x1  }
0x3ed: {  	v4 =	vadd.s32 v1, v4;
	_ =	sdelay $0x3  }
0x3ee: {  	s24 =	simm.s32 $0x16900;
	v3 =	vperm.xlane v3, v2  }
0x3ef: {  	[tilespmem:s24], [sflag:$0x1] =	stream.indirect_vreg.gather [hbm4b:s7+s2], $0x80, v4, vm0, $0xb8;
	[tilespmem:$0x1B100] =	vst v63  }
0x3f0: {  	s20 =	simm.s32 $0x17100;
	v3 =	vadd.s32 v1, v3  }
0x3f1: {  	[tilespmem:s20], [sflag:$0x1] =	stream.indirect_vreg.gather [hbm4b:s8+s2], $0x80, v4, vm0, $0xb8;
	[tilespmem:$0x1B100] =	vst v63  }
0x3f2: {  	s21 =	simm.s32 $0x17900  }
0x3f3: {  	[tilespmem:s21], [sflag:$0x1] =	stream.indirect_vreg.gather [hbm4b:s9+s2], $0x80, v4, vm0, $0xb8;
	[tilespmem:$0x1B100] =	vst v63  }
0x3f4: {  	s25 =	simm.s32 $0x18100  }
0x3f5: {  	[tilespmem:s25], [sflag:$0x1] =	stream.indirect_vreg.gather [hbm4b:s7+s2], $0x80, v3, vm0, $0xb8;
	[tilespmem:$0x1B100] =	vst v63  }
0x3f6: {  	s26 =	simm.s32 $0x18900  }
0x3f7: {  	[tilespmem:s26], [sflag:$0x1] =	stream.indirect_vreg.gather [hbm4b:s8+s2], $0x80, v3, vm0, $0xb8;
	[tilespmem:$0x1B100] =	vst v63  }
0x3f8: {  	s26 =	simm.s32 $0x19100  }
0x3f9: {  	[tilespmem:s26], [sflag:$0x1] =	stream.indirect_vreg.gather [hbm4b:s9+s2], $0x80, v3, vm0, $0xb8;
	[tilespmem:$0x1B100] =	vst v63  }
0x3fa: {  	v3 =	vld.msk [tilespmem:$0xC0], $0xff;
	_ =	sdelay $0x4  }
0x3fb: {  	v53 =	vshrl.u32 v3, $0x3  }
0x3fc: {  	v4 =	vmul.u32 $0x30, v53  }
0x3fd: {  	v3 =	vand.u32 $0x7, v3  }
0x3fe: {  	v3 =	vor.u32 v3, v4  }
0x3ff: {  	v3 =	vperm.xlane v3, v0;
	_ =	sdelay $0x1  }
0x400: {  	v3 =	vadd.s32 v1, v3;
	_ =	sdelay $0x3  }
0x401: {  	s28 =	simm.s32 $0x19900  }
0x402: {  	[tilespmem:s28], [sflag:$0x1] =	stream.indirect_vreg.gather [hbm4b:s7+s2], $0x80, v3, vm0, $0xb8;
	[tilespmem:$0x1B100] =	vst v63  }
0x403: {  	s29 =	simm.s32 $0x1A100  }
0x404: {  	[tilespmem:s29], [sflag:$0x1] =	stream.indirect_vreg.gather [hbm4b:s8+s2], $0x80, v3, vm0, $0xb8;
	[tilespmem:$0x1B100] =	vst v63  }
0x405: {  	s29 =	simm.s32 $0x1A900  }
0x406: {  	[tilespmem:s29], [sflag:$0x1] =	stream.indirect_vreg.gather [hbm4b:s9+s2], $0x80, v3, vm0, $0xb8;
	[tilespmem:$0x1B100] =	vst v63  }
0x407: {  	_ =	swait.ge [sflag:s15], $0xD800  }
0x408: {  	[sflag:s15] =	ssyncset.done $0x0  }
0x409: {  	s0 =	rddreg [dreg:$0x12];
	[sflag:s15] =	ssyncadd.s32 $0xFFFF2800  }
0x40a: {  	[hbm4b:s0+s2] =	stream.linear.scatter [tilespmem:s10], [sflag:$0x3], $0xD800, $0x38;
	[tilespmem:$0x1B100] =	vst v63  }
0x40b: {  	_ =	swait.ge [sflag:s22], $0xD800  }
0x40c: {  	[sflag:s22] =	ssyncset.done $0x0  }
0x40d: {  	s0 =	rddreg [dreg:$0x13];
	[sflag:s22] =	ssyncadd.s32 $0xFFFF2800  }
0x40e: {  	[tilespmem:s2], [sflag:$0x4] =	stream.linear.gather [hbm4b:s0+s2], $0x48, $0x38;
	[tilespmem:$0x1B100] =	vst v63  }
0x40f: {  	_ =	swait.ge [sflag:s11], $0x48  }
0x410: {  	[sflag:s11] =	ssyncset.done $0x0  }
0x411: {  	[sflag:s11] =	ssyncadd.s32 $0xFFFFFFB8  }
0x412: {  	v3 =	vld [tilespmem:$0x0];
	_ =	sdelay $0x4  }
0x413: {  	v54 =	vshrl.u32 v3, $0x3  }
0x414: {  	v4 =	vmul.u32 $0x30, v54  }
0x415: {  	v3 =	vand.u32 $0x7, v3  }
0x416: {  	v3 =	vor.u32 v3, v4  }
0x417: {  	v4 =	vperm.xlane v3, v0;
	_ =	sdelay $0x1  }
0x418: {  	v4 =	vadd.s32 v1, v4;
	_ =	sdelay $0x3  }
0x419: {  	v3 =	vperm.xlane v3, v2  }
0x41a: {  	[tilespmem:s17], [sflag:$0x1] =	stream.indirect_vreg.gather [hbm4b:s7+s2], $0x80, v4, vm0, $0xb8;
	[tilespmem:$0x1B100] =	vst v63  }
0x41b: {  	s24 =	simm.s32 $0x900;
	v3 =	vadd.s32 v1, v3  }
0x41c: {  	[tilespmem:s24], [sflag:$0x1] =	stream.indirect_vreg.gather [hbm4b:s8+s2], $0x80, v4, vm0, $0xb8;
	[tilespmem:$0x1B100] =	vst v63  }
0x41d: {  	s24 =	simm.s32 $0x1100  }
0x41e: {  	[tilespmem:s24], [sflag:$0x1] =	stream.indirect_vreg.gather [hbm4b:s9+s2], $0x80, v4, vm0, $0xb8;
	[tilespmem:$0x1B100] =	vst v63  }
0x41f: {  	s24 =	simm.s32 $0x1900  }
0x420: {  	[tilespmem:s24], [sflag:$0x1] =	stream.indirect_vreg.gather [hbm4b:s7+s2], $0x80, v3, vm0, $0xb8;
	[tilespmem:$0x1B100] =	vst v63  }
0x421: {  	s24 =	simm.s32 $0x2100  }
0x422: {  	[tilespmem:s24], [sflag:$0x1] =	stream.indirect_vreg.gather [hbm4b:s8+s2], $0x80, v3, vm0, $0xb8;
	[tilespmem:$0x1B100] =	vst v63  }
0x423: {  	s24 =	simm.s32 $0x2900  }
0x424: {  	[tilespmem:s24], [sflag:$0x1] =	stream.indirect_vreg.gather [hbm4b:s9+s2], $0x80, v3, vm0, $0xb8;
	[tilespmem:$0x1B100] =	vst v63  }
0x425: {  	v3 =	vld [tilespmem:$0x10];
	_ =	sdelay $0x4  }
0x426: {  	v55 =	vshrl.u32 v3, $0x3  }
0x427: {  	v4 =	vmul.u32 $0x30, v55  }
0x428: {  	v3 =	vand.u32 $0x7, v3  }
0x429: {  	v3 =	vor.u32 v3, v4  }
0x42a: {  	v4 =	vperm.xlane v3, v0;
	_ =	sdelay $0x1  }
0x42b: {  	v4 =	vadd.s32 v1, v4;
	_ =	sdelay $0x3  }
0x42c: {  	s24 =	simm.s32 $0x3100;
	v3 =	vperm.xlane v3, v2  }
0x42d: {  	[tilespmem:s24], [sflag:$0x1] =	stream.indirect_vreg.gather [hbm4b:s7+s2], $0x80, v4, vm0, $0xb8;
	[tilespmem:$0x1B100] =	vst v63  }
0x42e: {  	v3 =	vadd.s32 v1, v3;
	s24 =	simm.s32 $0x3900  }
0x42f: {  	[tilespmem:s24], [sflag:$0x1] =	stream.indirect_vreg.gather [hbm4b:s8+s2], $0x80, v4, vm0, $0xb8;
	[tilespmem:$0x1B100] =	vst v63  }
0x430: {  	s24 =	simm.s32 $0x4100  }
0x431: {  	[tilespmem:s24], [sflag:$0x1] =	stream.indirect_vreg.gather [hbm4b:s9+s2], $0x80, v4, vm0, $0xb8;
	[tilespmem:$0x1B100] =	vst v63  }
0x432: {  	s24 =	simm.s32 $0x4900  }
0x433: {  	[tilespmem:s24], [sflag:$0x1] =	stream.indirect_vreg.gather [hbm4b:s7+s2], $0x80, v3, vm0, $0xb8;
	[tilespmem:$0x1B100] =	vst v63  }
0x434: {  	s24 =	simm.s32 $0x5100  }
0x435: {  	[tilespmem:s24], [sflag:$0x1] =	stream.indirect_vreg.gather [hbm4b:s8+s2], $0x80, v3, vm0, $0xb8;
	[tilespmem:$0x1B100] =	vst v63  }
0x436: {  	s24 =	simm.s32 $0x5900  }
0x437: {  	[tilespmem:s24], [sflag:$0x1] =	stream.indirect_vreg.gather [hbm4b:s9+s2], $0x80, v3, vm0, $0xb8;
	[tilespmem:$0x1B100] =	vst v63  }
0x438: {  	v3 =	vld [tilespmem:$0x20];
	_ =	sdelay $0x4  }
0x439: {  	v56 =	vshrl.u32 v3, $0x3  }
0x43a: {  	v4 =	vmul.u32 $0x30, v56  }
0x43b: {  	v3 =	vand.u32 $0x7, v3  }
0x43c: {  	v3 =	vor.u32 v3, v4  }
0x43d: {  	v4 =	vperm.xlane v3, v0;
	_ =	sdelay $0x1  }
0x43e: {  	v4 =	vadd.s32 v1, v4;
	_ =	sdelay $0x3  }
0x43f: {  	s24 =	simm.s32 $0x6100;
	v3 =	vperm.xlane v3, v2  }
0x440: {  	[tilespmem:s24], [sflag:$0x1] =	stream.indirect_vreg.gather [hbm4b:s7+s2], $0x80, v4, vm0, $0xb8;
	[tilespmem:$0x1B100] =	vst v63  }
0x441: {  	v3 =	vadd.s32 v1, v3;
	s24 =	simm.s32 $0x6900  }
0x442: {  	[tilespmem:s24], [sflag:$0x1] =	stream.indirect_vreg.gather [hbm4b:s8+s2], $0x80, v4, vm0, $0xb8;
	[tilespmem:$0x1B100] =	vst v63  }
0x443: {  	s24 =	simm.s32 $0x7100  }
0x444: {  	[tilespmem:s24], [sflag:$0x1] =	stream.indirect_vreg.gather [hbm4b:s9+s2], $0x80, v4, vm0, $0xb8;
	[tilespmem:$0x1B100] =	vst v63  }
0x445: {  	s24 =	simm.s32 $0x7900  }
0x446: {  	[tilespmem:s24], [sflag:$0x1] =	stream.indirect_vreg.gather [hbm4b:s7+s2], $0x80, v3, vm0, $0xb8;
	[tilespmem:$0x1B100] =	vst v63  }
0x447: {  	s24 =	simm.s32 $0x8100  }
0x448: {  	[tilespmem:s24], [sflag:$0x1] =	stream.indirect_vreg.gather [hbm4b:s8+s2], $0x80, v3, vm0, $0xb8;
	[tilespmem:$0x1B100] =	vst v63  }
0x449: {  	s24 =	simm.s32 $0x8900  }
0x44a: {  	[tilespmem:s24], [sflag:$0x1] =	stream.indirect_vreg.gather [hbm4b:s9+s2], $0x80, v3, vm0, $0xb8;
	[tilespmem:$0x1B100] =	vst v63  }
0x44b: {  	v3 =	vld [tilespmem:$0x30];
	_ =	sdelay $0x4  }
0x44c: {  	v57 =	vshrl.u32 v3, $0x3  }
0x44d: {  	v4 =	vmul.u32 $0x30, v57  }
0x44e: {  	v3 =	vand.u32 $0x7, v3  }
0x44f: {  	v3 =	vor.u32 v3, v4  }
0x450: {  	v4 =	vperm.xlane v3, v0;
	_ =	sdelay $0x1  }
0x451: {  	v4 =	vadd.s32 v1, v4;
	_ =	sdelay $0x3  }
0x452: {  	s24 =	simm.s32 $0x9100;
	v3 =	vperm.xlane v3, v2  }
0x453: {  	[tilespmem:s24], [sflag:$0x1] =	stream.indirect_vreg.gather [hbm4b:s7+s2], $0x80, v4, vm0, $0xb8;
	[tilespmem:$0x1B100] =	vst v63  }
0x454: {  	v3 =	vadd.s32 v1, v3;
	s24 =	simm.s32 $0x9900  }
0x455: {  	[tilespmem:s24], [sflag:$0x1] =	stream.indirect_vreg.gather [hbm4b:s8+s2], $0x80, v4, vm0, $0xb8;
	[tilespmem:$0x1B100] =	vst v63  }
0x456: {  	s24 =	simm.s32 $0xA100  }
0x457: {  	[tilespmem:s24], [sflag:$0x1] =	stream.indirect_vreg.gather [hbm4b:s9+s2], $0x80, v4, vm0, $0xb8;
	[tilespmem:$0x1B100] =	vst v63  }
0x458: {  	s24 =	simm.s32 $0xA900  }
0x459: {  	[tilespmem:s24], [sflag:$0x1] =	stream.indirect_vreg.gather [hbm4b:s7+s2], $0x80, v3, vm0, $0xb8;
	[tilespmem:$0x1B100] =	vst v63  }
0x45a: {  	s24 =	simm.s32 $0xB100  }
0x45b: {  	[tilespmem:s24], [sflag:$0x1] =	stream.indirect_vreg.gather [hbm4b:s8+s2], $0x80, v3, vm0, $0xb8;
	[tilespmem:$0x1B100] =	vst v63  }
0x45c: {  	s24 =	simm.s32 $0xB900  }
0x45d: {  	[tilespmem:s24], [sflag:$0x1] =	stream.indirect_vreg.gather [hbm4b:s9+s2], $0x80, v3, vm0, $0xb8;
	[tilespmem:$0x1B100] =	vst v63  }
0x45e: {  	v3 =	vld.msk [tilespmem:$0x40], $0xff;
	_ =	sdelay $0x4  }
0x45f: {  	v58 =	vshrl.u32 v3, $0x3  }
0x460: {  	v4 =	vmul.u32 $0x30, v58  }
0x461: {  	v3 =	vand.u32 $0x7, v3  }
0x462: {  	v3 =	vor.u32 v3, v4  }
0x463: {  	v3 =	vperm.xlane v3, v0;
	_ =	sdelay $0x1  }
0x464: {  	v3 =	vadd.s32 v1, v3;
	_ =	sdelay $0x3  }
0x465: {  	s24 =	simm.s32 $0xC100  }
0x466: {  	[tilespmem:s24], [sflag:$0x1] =	stream.indirect_vreg.gather [hbm4b:s7+s2], $0x80, v3, vm0, $0xb8;
	[tilespmem:$0x1B100] =	vst v63  }
0x467: {  	s24 =	simm.s32 $0xC900  }
0x468: {  	[tilespmem:s24], [sflag:$0x1] =	stream.indirect_vreg.gather [hbm4b:s8+s2], $0x80, v3, vm0, $0xb8;
	[tilespmem:$0x1B100] =	vst v63  }
0x469: {  	s24 =	simm.s32 $0xD100  }
0x46a: {  	[tilespmem:s24], [sflag:$0x1] =	stream.indirect_vreg.gather [hbm4b:s9+s2], $0x80, v3, vm0, $0xb8;
	[tilespmem:$0x1B100] =	vst v63  }
0x46b: {  	s0 =	rddreg [dreg:$0x1b];
	_ =	swait.ge [sflag:s15], $0xD800  }
0x46c: {  	[sflag:s15] =	ssyncset.done $0x0  }
0x46d: {  	s24 =	rddreg [dreg:$0x14];
	[sflag:s15] =	ssyncadd.s32 $0xFFFF2800  }
0x46e: {  	[hbm4b:s24+s2] =	stream.linear.scatter [tilespmem:s17], [sflag:$0x2], $0xD800, $0x38;
	[tilespmem:$0x1B100] =	vst v63  }
0x46f: {  	_ =	swait.ge [sflag:s23], $0xD800  }
0x470: {  	[sflag:s23] =	ssyncset.done $0x0  }
0x471: {  	s17 =	simm.s32 $0x80;
	s24 =	rddreg [dreg:$0x15];
	[sflag:s23] =	ssyncadd.s32 $0xFFFF2800  }
0x472: {  	[tilespmem:s17], [sflag:$0x4] =	stream.linear.gather [hbm4b:s24+s2], $0x48, $0x38;
	[tilespmem:$0x1B100] =	vst v63  }
0x473: {  	_ =	swait.ge [sflag:s11], $0x48  }
0x474: {  	[sflag:s11] =	ssyncset.done $0x0  }
0x475: {  	[sflag:s11] =	ssyncadd.s32 $0xFFFFFFB8  }
0x476: {  	v3 =	vld [tilespmem:$0x80];
	_ =	sdelay $0x4  }
0x477: {  	v59 =	vshrl.u32 v3, $0x3  }
0x478: {  	v4 =	vmul.u32 $0x30, v59  }
0x479: {  	v3 =	vand.u32 $0x7, v3  }
0x47a: {  	v3 =	vor.u32 v3, v4  }
0x47b: {  	v4 =	vperm.xlane v3, v0;
	_ =	sdelay $0x1  }
0x47c: {  	v4 =	vadd.s32 v1, v4;
	_ =	sdelay $0x3  }
0x47d: {  	v3 =	vperm.xlane v3, v2  }
0x47e: {  	[tilespmem:s10], [sflag:$0x1] =	stream.indirect_vreg.gather [hbm4b:s7+s2], $0x80, v4, vm0, $0xb8;
	[tilespmem:$0x1B100] =	vst v63  }
0x47f: {  	s1 =	simm.s32 $0xE100;
	v3 =	vadd.s32 v1, v3  }
0x480: {  	[tilespmem:s1], [sflag:$0x1] =	stream.indirect_vreg.gather [hbm4b:s8+s2], $0x80, v4, vm0, $0xb8;
	[tilespmem:$0x1B100] =	vst v63  }
0x481: {  	s3 =	simm.s32 $0xE900  }
0x482: {  	[tilespmem:s3], [sflag:$0x1] =	stream.indirect_vreg.gather [hbm4b:s9+s2], $0x80, v4, vm0, $0xb8;
	[tilespmem:$0x1B100] =	vst v63  }
0x483: {  	s4 =	simm.s32 $0xF100  }
0x484: {  	[tilespmem:s4], [sflag:$0x1] =	stream.indirect_vreg.gather [hbm4b:s7+s2], $0x80, v3, vm0, $0xb8;
	[tilespmem:$0x1B100] =	vst v63  }
0x485: {  	s5 =	simm.s32 $0xF900  }
0x486: {  	[tilespmem:s5], [sflag:$0x1] =	stream.indirect_vreg.gather [hbm4b:s8+s2], $0x80, v3, vm0, $0xb8;
	[tilespmem:$0x1B100] =	vst v63  }
0x487: {  	s4 =	simm.s32 $0x10100  }
0x488: {  	[tilespmem:s4], [sflag:$0x1] =	stream.indirect_vreg.gather [hbm4b:s9+s2], $0x80, v3, vm0, $0xb8;
	[tilespmem:$0x1B100] =	vst v63  }
0x489: {  	v3 =	vld [tilespmem:$0x90];
	_ =	sdelay $0x4  }
0x48a: {  	v60 =	vshrl.u32 v3, $0x3  }
0x48b: {  	v4 =	vmul.u32 $0x30, v60  }
0x48c: {  	v3 =	vand.u32 $0x7, v3  }
0x48d: {  	v3 =	vor.u32 v3, v4  }
0x48e: {  	v4 =	vperm.xlane v3, v0;
	_ =	sdelay $0x1  }
0x48f: {  	v4 =	vadd.s32 v1, v4;
	_ =	sdelay $0x3  }
0x490: {  	s5 =	simm.s32 $0x10900;
	v3 =	vperm.xlane v3, v2  }
0x491: {  	[tilespmem:s5], [sflag:$0x1] =	stream.indirect_vreg.gather [hbm4b:s7+s2], $0x80, v4, vm0, $0xb8;
	[tilespmem:$0x1B100] =	vst v63  }
0x492: {  	s6 =	simm.s32 $0x11100;
	v3 =	vadd.s32 v1, v3  }
0x493: {  	[tilespmem:s6], [sflag:$0x1] =	stream.indirect_vreg.gather [hbm4b:s8+s2], $0x80, v4, vm0, $0xb8;
	[tilespmem:$0x1B100] =	vst v63  }
0x494: {  	s30 =	simm.s32 $0x11900  }
0x495: {  	[tilespmem:s30], [sflag:$0x1] =	stream.indirect_vreg.gather [hbm4b:s9+s2], $0x80, v4, vm0, $0xb8;
	[tilespmem:$0x1B100] =	vst v63  }
0x496: {  	s31 =	simm.s32 $0x12100  }
0x497: {  	[tilespmem:s31], [sflag:$0x1] =	stream.indirect_vreg.gather [hbm4b:s7+s2], $0x80, v3, vm0, $0xb8;
	[tilespmem:$0x1B100] =	vst v63  }
0x498: {  	s12 =	simm.s32 $0x12900  }
0x499: {  	[tilespmem:s12], [sflag:$0x1] =	stream.indirect_vreg.gather [hbm4b:s8+s2], $0x80, v3, vm0, $0xb8;
	[tilespmem:$0x1B100] =	vst v63  }
0x49a: {  	s12 =	simm.s32 $0x13100  }
0x49b: {  	[tilespmem:s12], [sflag:$0x1] =	stream.indirect_vreg.gather [hbm4b:s9+s2], $0x80, v3, vm0, $0xb8;
	[tilespmem:$0x1B100] =	vst v63  }
0x49c: {  	v3 =	vld [tilespmem:$0xA0];
	_ =	sdelay $0x4  }
0x49d: {  	v61 =	vshrl.u32 v3, $0x3  }
0x49e: {  	v4 =	vmul.u32 $0x30, v61  }
0x49f: {  	v3 =	vand.u32 $0x7, v3  }
0x4a0: {  	v3 =	vor.u32 v3, v4  }
0x4a1: {  	v4 =	vperm.xlane v3, v0;
	_ =	sdelay $0x1  }
0x4a2: {  	v4 =	vadd.s32 v1, v4;
	_ =	sdelay $0x3  }
0x4a3: {  	s17 =	simm.s32 $0x13900;
	v3 =	vperm.xlane v3, v2  }
0x4a4: {  	[tilespmem:s17], [sflag:$0x1] =	stream.indirect_vreg.gather [hbm4b:s7+s2], $0x80, v4, vm0, $0xb8;
	[tilespmem:$0x1B100] =	vst v63  }
0x4a5: {  	s13 =	simm.s32 $0x14100;
	v3 =	vadd.s32 v1, v3  }
0x4a6: {  	[tilespmem:s13], [sflag:$0x1] =	stream.indirect_vreg.gather [hbm4b:s8+s2], $0x80, v4, vm0, $0xb8;
	[tilespmem:$0x1B100] =	vst v63  }
0x4a7: {  	s14 =	simm.s32 $0x14900  }
0x4a8: {  	[tilespmem:s14], [sflag:$0x1] =	stream.indirect_vreg.gather [hbm4b:s9+s2], $0x80, v4, vm0, $0xb8;
	[tilespmem:$0x1B100] =	vst v63  }
0x4a9: {  	s16 =	simm.s32 $0x15100  }
0x4aa: {  	[tilespmem:s16], [sflag:$0x1] =	stream.indirect_vreg.gather [hbm4b:s7+s2], $0x80, v3, vm0, $0xb8;
	[tilespmem:$0x1B100] =	vst v63  }
0x4ab: {  	s18 =	simm.s32 $0x15900  }
0x4ac: {  	[tilespmem:s18], [sflag:$0x1] =	stream.indirect_vreg.gather [hbm4b:s8+s2], $0x80, v3, vm0, $0xb8;
	[tilespmem:$0x1B100] =	vst v63  }
0x4ad: {  	s18 =	simm.s32 $0x16100  }
0x4ae: {  	[tilespmem:s18], [sflag:$0x1] =	stream.indirect_vreg.gather [hbm4b:s9+s2], $0x80, v3, vm0, $0xb8;
	[tilespmem:$0x1B100] =	vst v63  }
0x4af: {  	v3 =	vld [tilespmem:$0xB0];
	_ =	sdelay $0x4  }
0x4b0: {  	v62 =	vshrl.u32 v3, $0x3  }
0x4b1: {  	v4 =	vmul.u32 $0x30, v62  }
0x4b2: {  	v3 =	vand.u32 $0x7, v3  }
0x4b3: {  	v3 =	vor.u32 v3, v4  }
0x4b4: {  	v4 =	vperm.xlane v3, v0;
	_ =	sdelay $0x1  }
0x4b5: {  	v4 =	vadd.s32 v1, v4;
	_ =	sdelay $0x3  }
0x4b6: {  	s24 =	simm.s32 $0x16900;
	v3 =	vperm.xlane v3, v2  }
0x4b7: {  	[tilespmem:s24], [sflag:$0x1] =	stream.indirect_vreg.gather [hbm4b:s7+s2], $0x80, v4, vm0, $0xb8;
	[tilespmem:$0x1B100] =	vst v63  }
0x4b8: {  	s19 =	simm.s32 $0x17100;
	v3 =	vadd.s32 v1, v3  }
0x4b9: {  	[tilespmem:s19], [sflag:$0x1] =	stream.indirect_vreg.gather [hbm4b:s8+s2], $0x80, v4, vm0, $0xb8;
	[tilespmem:$0x1B100] =	vst v63  }
0x4ba: {  	s20 =	simm.s32 $0x17900  }
0x4bb: {  	[tilespmem:s20], [sflag:$0x1] =	stream.indirect_vreg.gather [hbm4b:s9+s2], $0x80, v4, vm0, $0xb8;
	[tilespmem:$0x1B100] =	vst v63  }
0x4bc: {  	s21 =	simm.s32 $0x18100  }
0x4bd: {  	[tilespmem:s21], [sflag:$0x1] =	stream.indirect_vreg.gather [hbm4b:s7+s2], $0x80, v3, vm0, $0xb8;
	[tilespmem:$0x1B100] =	vst v63  }
0x4be: {  	s25 =	simm.s32 $0x18900  }
0x4bf: {  	[tilespmem:s25], [sflag:$0x1] =	stream.indirect_vreg.gather [hbm4b:s8+s2], $0x80, v3, vm0, $0xb8;
	[tilespmem:$0x1B100] =	vst v63  }
0x4c0: {  	s30 =	simm.s32 $0x19100  }
0x4c1: {  	[tilespmem:s30], [sflag:$0x1] =	stream.indirect_vreg.gather [hbm4b:s9+s2], $0x80, v3, vm0, $0xb8;
	[tilespmem:$0x1B100] =	vst v63  }
0x4c2: {  	v3 =	vld.msk [tilespmem:$0xC0], $0xff;
	_ =	sdelay $0x4  }
0x4c3: {  	v63 =	vshrl.u32 v3, $0x3  }
0x4c4: {  	v4 =	vmul.u32 $0x30, v63  }
0x4c5: {  	v3 =	vand.u32 $0x7, v3  }
0x4c6: {  	v3 =	vor.u32 v3, v4  }
0x4c7: {  	v3 =	vperm.xlane v3, v0;
	_ =	sdelay $0x1  }
0x4c8: {  	v3 =	vadd.s32 v1, v3;
	_ =	sdelay $0x3  }
0x4c9: {  	s26 =	simm.s32 $0x19900  }
0x4ca: {  	[tilespmem:s26], [sflag:$0x1] =	stream.indirect_vreg.gather [hbm4b:s7+s2], $0x80, v3, vm0, $0xb8;
	[tilespmem:$0x1B100] =	vst v63  }
0x4cb: {  	s28 =	simm.s32 $0x1A100  }
0x4cc: {  	[tilespmem:s28], [sflag:$0x1] =	stream.indirect_vreg.gather [hbm4b:s8+s2], $0x80, v3, vm0, $0xb8;
	[tilespmem:$0x1B100] =	vst v63  }
0x4cd: {  	s29 =	simm.s32 $0x1A900  }
0x4ce: {  	[tilespmem:s29], [sflag:$0x1] =	stream.indirect_vreg.gather [hbm4b:s9+s2], $0x80, v3, vm0, $0xb8;
	[tilespmem:$0x1B100] =	vst v63  }
0x4cf: {  	_ =	swait.ge [sflag:s15], $0xD800  }
0x4d0: {  	[sflag:s15] =	ssyncset.done $0x0  }
0x4d1: {  	s31 =	rddreg [dreg:$0x16];
	[sflag:s15] =	ssyncadd.s32 $0xFFFF2800  }
0x4d2: {  	[hbm4b:s31+s2] =	stream.linear.scatter [tilespmem:s10], [sflag:$0x3], $0xD800, $0x38;
	[tilespmem:$0x1B100] =	vst v63  }
0x4d3: {  	p0 =	sne.s32 s0, $0x1;
	_ =	swait.ge [sflag:s22], $0xD800  }
.Ltmp0:
0x4d4: {  	[sflag:s22] =	ssyncset.done $0x0;
	(pc) =	sbr.rel @p0 .LBB2_1-.Ltmp0, $4  }
0x4d5: {  	[sflag:s22] =	ssyncadd.s32 $0xFFFF2800  }
0x4d6: {  	_ =	swait.ge [sflag:s23], $0xD800  }
0x4d7: {  	[sflag:s23] =	ssyncset.done $0x0  }
0x4d8: {  	s0 =	sadd.s32 $0xFFFFFFFF, s0;
	[sflag:s23] =	ssyncadd.s32 $0xFFFF2800  }
0x4d9: {  	_ =	sfence.sel $0x180000  }
0x4da: {  	[bflag:$0x0] =	sbarrier.arrive $0xFFFF  }
0x4db: {  	_ =	strace $0x90000047  }
0x4dc: {  	s0 =	stileid.u32;
	[bflag:$0x2] =	sbarrier.arrive $0xFFFF  }
0x4dd: {  	p0 =	sne.s32 s0, $0x0;
	s0 =	rddreg [dreg:$0x2]  }
0x4de: {  	s0 =	sadd.s32 @!p0 $0x100000, s0  }
0x4df: {  	[sflag:s0] =	ssyncadd.tile.s32 @!p0 $0x1;
	_ =	shalt  }
.Lfunc_end2:
_tile_overlayer_lowered:
.L_overlay_start_2:
0x4e0: {  	(tag) =	ssettag $0x2  }
0x4e1: {  	s0 =	rddreg [dreg:$0x0];
	s2 =	stileid.u32  }
0x4e2: {  	s1 =	rddreg [dreg:$0x1];
	p0 =	sne.s32 s2, $0x0  }
0x4e3: {  	s3 =	rddreg [dreg:$0x2];
	[bflag:$0x3] =	sbarrier.arrive $0xFFFF;
	s2 =	simm.s32 @!p0 $0x1C04  }
0x4e4: {  	[timem:s3], [sflag:s2] =	dma.local @!p0 [hbm:s0], s1  }
0x4e5: {  	s0 =	simm.s32 @!p0 $0x4  }
0x4e6: {  	_ =	swait.ge @!p0 [sflag:s0], s1  }
0x4e7: {  	s1 =	ssub.s32 @!p0 $0x0, s1;
	[sflag:s0] =	ssyncset.done @!p0 $0x0  }
0x4e8: {  	[sflag:s0] =	ssyncadd.s32 @!p0 s1  }
0x4e9: {  	[bflag:$0x3] =	sbarrier.arrive $0xFFFF  }
0x4ea: {  	_ =	shalt  }

</sc_bundles>
